<compile_context>
chip_gen: v7x
topology: tpu7x:2x2x1
jax: 0.10.2.dev20260603
libtpu: 0.0.44.dev20260713+nightly
codegen_flags: <defaults>
</compile_context>

<pallas_src>
import functools

import jax
import jax.numpy as jnp
from jax import lax
from jax.experimental import pallas as pl
from jax.experimental.pallas import tpu as pltpu
from jax.experimental.pallas import tpu_sc as plsc

D_MODEL = 256
NUM_WORKERS = 32
CHUNK = 32
NBUF = 8
GL = 4


def _make_gather(batch: int, seq: int):
    n_tokens = batch * seq
    per_worker = n_tokens // NUM_WORKERS
    rows_per_worker = batch // NUM_WORKERS
    n_chunks = per_worker // CHUNK
    n_groups = n_chunks // NBUF
    mesh = plsc.VectorSubcoreMesh(core_axis_name="c", subcore_axis_name="s")

    @functools.partial(
        pl.kernel,
        mesh=mesh,
        out_type=jax.ShapeDtypeStruct((n_tokens, D_MODEL), jnp.float32),
        scratch_types=[
            pltpu.VMEM((n_chunks, CHUNK), jnp.int32),
        ] + [pltpu.VMEM((CHUNK, D_MODEL), jnp.float32)] * NBUF
          + [pltpu.SemaphoreType.DMA] * (2 * NBUF),
    )
    def gather_kernel(table_hbm, idx_hbm, out_hbm, idx_v, *bufs_and_sems):
        bufs = bufs_and_sems[:NBUF]
        gsem = bufs_and_sems[NBUF:2 * NBUF]
        ssem = bufs_and_sems[2 * NBUF:]
        wid = lax.axis_index("s") * 2 + lax.axis_index("c")
        base = wid * per_worker
        pltpu.sync_copy(
            idx_hbm.at[pl.ds(wid * rows_per_worker, rows_per_worker)], idx_v)

        def start_gather(j, b):
            pltpu.async_copy(table_hbm.at[idx_v.at[j]], bufs[b], gsem[b])

        def wait_gather(b):
            pltpu.make_async_copy(
                table_hbm.at[idx_v.at[0]], bufs[b], gsem[b]).wait()

        def start_scatter(j, b):
            pltpu.async_copy(
                bufs[b], out_hbm.at[pl.ds(base + j * CHUNK, CHUNK)], ssem[b])

        def wait_scatter(b):
            pltpu.make_async_copy(
                bufs[b], out_hbm.at[pl.ds(base, CHUNK)], ssem[b]).wait()

        for b in range(GL):
            start_gather(b, b)

        def body(g, _):
            j0 = NBUF * g
            for b in range(NBUF):
                j = j0 + b
                wait_gather(b)
                start_scatter(j, b)
                nb = (b + GL) % NBUF
                if b < NBUF - GL:
                    @pl.when(g > 0)
                    def _():
                        wait_scatter(nb)
                        start_gather(j + GL, nb)

                    @pl.when(g == 0)
                    def _():
                        start_gather(j + GL, nb)
                else:
                    wait_scatter(nb)

                    @pl.when(g < n_groups - 1)
                    def _():
                        start_gather(j + GL, nb)
            return 0

        lax.fori_loop(0, n_groups, body, 0)
        for b in range(GL, NBUF):
            wait_scatter(b)

    return gather_kernel


def kernel(input_ids, attention_mask, embed_table):
    batch, seq = input_ids.shape
    flat = _make_gather(batch, seq)(embed_table, input_ids)
    emb = flat.reshape(batch, seq, D_MODEL)
    return (emb, input_ids, attention_mask)

# --- scband reference (transcript-rebuilt; emitter-appended) ---
"""Pipeline reference for scband-text-encoder-4552665334336 (READ-ONLY COPY).

The authoritative reference and input builder live on the scoring server;
editing this copy changes nothing except your own understanding.
"""

import jax, jax.numpy as jnp
import numpy as np

VOCAB = 50272
D_MODEL = 256
BATCH = 4096
SEQ = 32

def setup_inputs(seed: int = 0) -> dict:
    key = jax.random.key(seed)
    k1, k2 = jax.random.split(key)
    input_ids = jax.random.randint(k1, (BATCH, SEQ), 0, VOCAB, dtype=jnp.int32)
    attention_mask = jnp.ones((BATCH, SEQ), dtype=jnp.int32)
    # learned embedding table sized per OPT-125m vocab and d_model from init_kwargs
    embed_table = jax.random.normal(k2, (VOCAB, D_MODEL), dtype=jnp.float32) * 0.02
    return {"input_ids": input_ids, "attention_mask": attention_mask, "embed_table": embed_table}

def reference(input_ids, attention_mask, embed_table):
    # TextEncoder.forward: tokenize (ids/mask supplied pre-tokenized here),
    # then embed via embedding-table gather, return (emb, ids, mask)
    emb = jnp.take(embed_table, input_ids, axis=0)
    return (emb, input_ids, attention_mask)

if __name__ == "__main__":
    import jax
    _d = setup_inputs()
    print(jax.jit(kernel)(*tuple(_d.values())))

</pallas_src>

<mosaic_0001>
#map = affine_map<(d0, d1) -> (0, 0)>
module attributes {stable_mosaic.version = 14 : i64} {
  func.func @gather_kernel(%arg0: i32, %arg1: i32, %arg2: memref<50272x256xf32, #tpu.memory_space<hbm>>, %arg3: memref<4096x32xi32, #tpu.memory_space<hbm>>, %arg4: memref<131072x256xf32, #tpu.memory_space<hbm>>, %arg5: memref<128x32xi32, #tpu.memory_space<vmem>>, %arg6: memref<32x256xf32, #tpu.memory_space<vmem>>, %arg7: memref<32x256xf32, #tpu.memory_space<vmem>>, %arg8: memref<32x256xf32, #tpu.memory_space<vmem>>, %arg9: memref<32x256xf32, #tpu.memory_space<vmem>>, %arg10: memref<32x256xf32, #tpu.memory_space<vmem>>, %arg11: memref<32x256xf32, #tpu.memory_space<vmem>>, %arg12: memref<32x256xf32, #tpu.memory_space<vmem>>, %arg13: memref<32x256xf32, #tpu.memory_space<vmem>>, %arg14: memref<!tpu.dma_semaphore, #tpu.memory_space<semaphore_mem>>, %arg15: memref<!tpu.dma_semaphore, #tpu.memory_space<semaphore_mem>>, %arg16: memref<!tpu.dma_semaphore, #tpu.memory_space<semaphore_mem>>, %arg17: memref<!tpu.dma_semaphore, #tpu.memory_space<semaphore_mem>>, %arg18: memref<!tpu.dma_semaphore, #tpu.memory_space<semaphore_mem>>, %arg19: memref<!tpu.dma_semaphore, #tpu.memory_space<semaphore_mem>>, %arg20: memref<!tpu.dma_semaphore, #tpu.memory_space<semaphore_mem>>, %arg21: memref<!tpu.dma_semaphore, #tpu.memory_space<semaphore_mem>>, %arg22: memref<!tpu.dma_semaphore, #tpu.memory_space<semaphore_mem>>, %arg23: memref<!tpu.dma_semaphore, #tpu.memory_space<semaphore_mem>>, %arg24: memref<!tpu.dma_semaphore, #tpu.memory_space<semaphore_mem>>, %arg25: memref<!tpu.dma_semaphore, #tpu.memory_space<semaphore_mem>>, %arg26: memref<!tpu.dma_semaphore, #tpu.memory_space<semaphore_mem>>, %arg27: memref<!tpu.dma_semaphore, #tpu.memory_space<semaphore_mem>>, %arg28: memref<!tpu.dma_semaphore, #tpu.memory_space<semaphore_mem>>, %arg29: memref<!tpu.dma_semaphore, #tpu.memory_space<semaphore_mem>>) attributes {dimension_semantics = [#tpu.dimension_semantics<core_parallel>, #tpu.dimension_semantics<subcore_parallel>], iteration_bounds = array<i64: 2, 16>, scalar_prefetch = 0 : i64, scratch_operands = 25 : i64, tpu.core_type = #tpu.core_type<sc_vector_subcore>, window_params = [{transform_indices = #map}, {transform_indices = #map}, {transform_indices = #map}]} {
    %mul3A = arith.constant 2 : i32
    %mul3A_0 = arith.muli %arg1, %mul3A : i32
    %add3A = arith.addi %mul3A_0, %arg0 : i32
    %mul3A_1 = arith.constant 4096 : i32
    %mul3A_2 = arith.muli %add3A, %mul3A_1 : i32
    %mul3A_3 = arith.constant 128 : i32
    %mul3A_4 = arith.muli %add3A, %mul3A_3 : i32
    "tpu.region"() ({
      %run_scoped3A = tpu.sem_alloc : memref<!tpu.dma_semaphore, #tpu.memory_space<semaphore_mem>>
      %dma_start3A_53 = arith.constant 0 : i32
      %dma_start3A_54 = tpu.memref_slice %arg3[%mul3A_4, %dma_start3A_53] : memref<4096x32xi32, #tpu.memory_space<hbm>> -> memref<128x32xi32, #tpu.memory_space<hbm>>
      %dma_start3A_55 = arith.constant 0 : i32
      %dma_start3A_56 = tpu.memref_slice %arg3[%mul3A_4, %dma_start3A_55] : memref<4096x32xi32, #tpu.memory_space<hbm>> -> memref<128x32xi32, #tpu.memory_space<hbm>>
      tpu.enqueue_dma source(%dma_start3A_56 : memref<128x32xi32, #tpu.memory_space<hbm>>) target(%arg5 : memref<128x32xi32, #tpu.memory_space<vmem>>) target_semaphore(%run_scoped3A : memref<!tpu.dma_semaphore, #tpu.memory_space<semaphore_mem>>)
      %dma_wait3A_57 = arith.constant 0 : i32
      %dma_wait3A_58 = tpu.memref_slice %arg3[%mul3A_4, %dma_wait3A_57] : memref<4096x32xi32, #tpu.memory_space<hbm>> -> memref<128x32xi32, #tpu.memory_space<hbm>>
      %dma_wait3A_59 = arith.constant 0 : i32
      %dma_wait3A_60 = tpu.memref_slice %arg3[%mul3A_4, %dma_wait3A_59] : memref<4096x32xi32, #tpu.memory_space<hbm>> -> memref<128x32xi32, #tpu.memory_space<hbm>>
      tpu.wait_dma2 semaphore(%run_scoped3A : memref<!tpu.dma_semaphore, #tpu.memory_space<semaphore_mem>>) src(%dma_wait3A_60 : memref<128x32xi32, #tpu.memory_space<hbm>>) dst(%arg5 : memref<128x32xi32, #tpu.memory_space<vmem>>)
      tpu.yield
    }) : () -> ()
    %dma_start3A = arith.constant 0 : i32
    %dma_start3A_5 = arith.constant 0 : i32
    %dma_start3A_6 = tpu.memref_slice %arg5[%dma_start3A, %dma_start3A_5] : memref<128x32xi32, #tpu.memory_space<vmem>> -> memref<1x32xi32, #tpu.memory_space<vmem>>
    %dma_start3A_7 = tpu.memref_squeeze %dma_start3A_6 : memref<1x32xi32, #tpu.memory_space<vmem>> -> memref<32xi32, #tpu.memory_space<vmem>>
    %dma_start3A_8 = arith.constant 0 : i32
    %dma_start3A_9 = arith.constant 0 : i32
    %dma_start3A_10 = tpu.memref_slice %arg2[%dma_start3A_8, %dma_start3A_9] : memref<50272x256xf32, #tpu.memory_space<hbm>> -> memref<50272x256xf32, #tpu.memory_space<hbm>>
    tpu.enqueue_indirect_dma source(%dma_start3A_10 : memref<50272x256xf32, #tpu.memory_space<hbm>>) target(%arg6 : memref<32x256xf32, #tpu.memory_space<vmem>>) offsets(%dma_start3A_7 : memref<32xi32, #tpu.memory_space<vmem>>) semaphore(%arg14 : memref<!tpu.dma_semaphore, #tpu.memory_space<semaphore_mem>>)
    %dma_start3A_11 = arith.constant 1 : i32
    %dma_start3A_12 = arith.constant 0 : i32
    %dma_start3A_13 = tpu.memref_slice %arg5[%dma_start3A_11, %dma_start3A_12] : memref<128x32xi32, #tpu.memory_space<vmem>> -> memref<1x32xi32, #tpu.memory_space<vmem>>
    %dma_start3A_14 = tpu.memref_squeeze %dma_start3A_13 : memref<1x32xi32, #tpu.memory_space<vmem>> -> memref<32xi32, #tpu.memory_space<vmem>>
    %dma_start3A_15 = arith.constant 0 : i32
    %dma_start3A_16 = arith.constant 0 : i32
    %dma_start3A_17 = tpu.memref_slice %arg2[%dma_start3A_15, %dma_start3A_16] : memref<50272x256xf32, #tpu.memory_space<hbm>> -> memref<50272x256xf32, #tpu.memory_space<hbm>>
    tpu.enqueue_indirect_dma source(%dma_start3A_17 : memref<50272x256xf32, #tpu.memory_space<hbm>>) target(%arg7 : memref<32x256xf32, #tpu.memory_space<vmem>>) offsets(%dma_start3A_14 : memref<32xi32, #tpu.memory_space<vmem>>) semaphore(%arg15 : memref<!tpu.dma_semaphore, #tpu.memory_space<semaphore_mem>>)
    %dma_start3A_18 = arith.constant 2 : i32
    %dma_start3A_19 = arith.constant 0 : i32
    %dma_start3A_20 = tpu.memref_slice %arg5[%dma_start3A_18, %dma_start3A_19] : memref<128x32xi32, #tpu.memory_space<vmem>> -> memref<1x32xi32, #tpu.memory_space<vmem>>
    %dma_start3A_21 = tpu.memref_squeeze %dma_start3A_20 : memref<1x32xi32, #tpu.memory_space<vmem>> -> memref<32xi32, #tpu.memory_space<vmem>>
    %dma_start3A_22 = arith.constant 0 : i32
    %dma_start3A_23 = arith.constant 0 : i32
    %dma_start3A_24 = tpu.memref_slice %arg2[%dma_start3A_22, %dma_start3A_23] : memref<50272x256xf32, #tpu.memory_space<hbm>> -> memref<50272x256xf32, #tpu.memory_space<hbm>>
    tpu.enqueue_indirect_dma source(%dma_start3A_24 : memref<50272x256xf32, #tpu.memory_space<hbm>>) target(%arg8 : memref<32x256xf32, #tpu.memory_space<vmem>>) offsets(%dma_start3A_21 : memref<32xi32, #tpu.memory_space<vmem>>) semaphore(%arg16 : memref<!tpu.dma_semaphore, #tpu.memory_space<semaphore_mem>>)
    %dma_start3A_25 = arith.constant 3 : i32
    %dma_start3A_26 = arith.constant 0 : i32
    %dma_start3A_27 = tpu.memref_slice %arg5[%dma_start3A_25, %dma_start3A_26] : memref<128x32xi32, #tpu.memory_space<vmem>> -> memref<1x32xi32, #tpu.memory_space<vmem>>
    %dma_start3A_28 = tpu.memref_squeeze %dma_start3A_27 : memref<1x32xi32, #tpu.memory_space<vmem>> -> memref<32xi32, #tpu.memory_space<vmem>>
    %dma_start3A_29 = arith.constant 0 : i32
    %dma_start3A_30 = arith.constant 0 : i32
    %dma_start3A_31 = tpu.memref_slice %arg2[%dma_start3A_29, %dma_start3A_30] : memref<50272x256xf32, #tpu.memory_space<hbm>> -> memref<50272x256xf32, #tpu.memory_space<hbm>>
    tpu.enqueue_indirect_dma source(%dma_start3A_31 : memref<50272x256xf32, #tpu.memory_space<hbm>>) target(%arg9 : memref<32x256xf32, #tpu.memory_space<vmem>>) offsets(%dma_start3A_28 : memref<32xi32, #tpu.memory_space<vmem>>) semaphore(%arg17 : memref<!tpu.dma_semaphore, #tpu.memory_space<semaphore_mem>>)
    %scan3A = arith.constant 0 : i32
    %scan3A_32 = arith.constant 0 : i32
    %scan3A_33 = arith.constant 16 : i32
    %scan3A_34 = arith.addi %scan3A_32, %scan3A_33 : i32
    %scan3A_35 = arith.constant 1 : i32
    %scan3A_36 = scf.for %scan3A_53 = %scan3A_32 to %scan3A_34 step %scan3A_35 iter_args(%scan3A_54 = %scan3A) -> (i32)  : i32 {
      %mul3A_55 = arith.constant 8 : i32
      %mul3A_56 = arith.muli %mul3A_55, %scan3A_53 : i32
      %add3A_57 = arith.constant 0 : i32
      %add3A_58 = arith.addi %mul3A_56, %add3A_57 : i32
      %dma_wait3A_59 = arith.constant 0 : i32
      %dma_wait3A_60 = arith.constant 0 : i32
      %dma_wait3A_61 = tpu.memref_slice %arg5[%dma_wait3A_59, %dma_wait3A_60] : memref<128x32xi32, #tpu.memory_space<vmem>> -> memref<1x32xi32, #tpu.memory_space<vmem>>
      %dma_wait3A_62 = tpu.memref_squeeze %dma_wait3A_61 : memref<1x32xi32, #tpu.memory_space<vmem>> -> memref<32xi32, #tpu.memory_space<vmem>>
      %dma_wait3A_63 = arith.constant 0 : i32
      %dma_wait3A_64 = arith.constant 0 : i32
      %dma_wait3A_65 = tpu.memref_slice %arg2[%dma_wait3A_63, %dma_wait3A_64] : memref<50272x256xf32, #tpu.memory_space<hbm>> -> memref<50272x256xf32, #tpu.memory_space<hbm>>
      tpu.wait_indirect_dma semaphore(%arg14 : memref<!tpu.dma_semaphore, #tpu.memory_space<semaphore_mem>>) src(%dma_wait3A_65 : memref<50272x256xf32, #tpu.memory_space<hbm>>) dst(%arg6 : memref<32x256xf32, #tpu.memory_space<vmem>>)
      %mul3A_66 = arith.constant 32 : i32
      %mul3A_67 = arith.muli %add3A_58, %mul3A_66 : i32
      %add3A_68 = arith.addi %mul3A_2, %mul3A_67 : i32
      %dma_start3A_69 = arith.constant 0 : i32
      %dma_start3A_70 = tpu.memref_slice %arg4[%add3A_68, %dma_start3A_69] : memref<131072x256xf32, #tpu.memory_space<hbm>> -> memref<32x256xf32, #tpu.memory_space<hbm>>
      %dma_start3A_71 = arith.constant 0 : i32
      %dma_start3A_72 = tpu.memref_slice %arg4[%add3A_68, %dma_start3A_71] : memref<131072x256xf32, #tpu.memory_space<hbm>> -> memref<32x256xf32, #tpu.memory_space<hbm>>
      tpu.enqueue_dma source(%arg6 : memref<32x256xf32, #tpu.memory_space<vmem>>) target(%dma_start3A_72 : memref<32x256xf32, #tpu.memory_space<hbm>>) target_semaphore(%arg22 : memref<!tpu.dma_semaphore, #tpu.memory_space<semaphore_mem>>)
      %gt3A = arith.constant 0 : i32
      %gt3A_73 = arith.cmpi sgt, %scan3A_53, %gt3A : i32
      %convert_element_type3A = arith.extui %gt3A_73 : i1 to i32
      %cond3A = arith.constant 0 : i32
      %cond3A_74 = arith.cmpi ne, %convert_element_type3A, %cond3A : i32
      scf.if %cond3A_74 {
        %dma_wait3A_257 = arith.constant 0 : i32
        %dma_wait3A_258 = tpu.memref_slice %arg4[%mul3A_2, %dma_wait3A_257] : memref<131072x256xf32, #tpu.memory_space<hbm>> -> memref<32x256xf32, #tpu.memory_space<hbm>>
        %dma_wait3A_259 = arith.constant 0 : i32
        %dma_wait3A_260 = tpu.memref_slice %arg4[%mul3A_2, %dma_wait3A_259] : memref<131072x256xf32, #tpu.memory_space<hbm>> -> memref<32x256xf32, #tpu.memory_space<hbm>>
        tpu.wait_dma2 semaphore(%arg26 : memref<!tpu.dma_semaphore, #tpu.memory_space<semaphore_mem>>) src(%arg10 : memref<32x256xf32, #tpu.memory_space<vmem>>) dst(%dma_wait3A_260 : memref<32x256xf32, #tpu.memory_space<hbm>>)
        %add3A_261 = arith.constant 4 : i32
        %add3A_262 = arith.addi %add3A_58, %add3A_261 : i32
        %dma_start3A_263 = arith.constant 0 : i32
        %dma_start3A_264 = tpu.memref_slice %arg5[%add3A_262, %dma_start3A_263] : memref<128x32xi32, #tpu.memory_space<vmem>> -> memref<1x32xi32, #tpu.memory_space<vmem>>
        %dma_start3A_265 = tpu.memref_squeeze %dma_start3A_264 : memref<1x32xi32, #tpu.memory_space<vmem>> -> memref<32xi32, #tpu.memory_space<vmem>>
        %dma_start3A_266 = arith.constant 0 : i32
        %dma_start3A_267 = arith.constant 0 : i32
        %dma_start3A_268 = tpu.memref_slice %arg2[%dma_start3A_266, %dma_start3A_267] : memref<50272x256xf32, #tpu.memory_space<hbm>> -> memref<50272x256xf32, #tpu.memory_space<hbm>>
        tpu.enqueue_indirect_dma source(%dma_start3A_268 : memref<50272x256xf32, #tpu.memory_space<hbm>>) target(%arg10 : memref<32x256xf32, #tpu.memory_space<vmem>>) offsets(%dma_start3A_265 : memref<32xi32, #tpu.memory_space<vmem>>) semaphore(%arg18 : memref<!tpu.dma_semaphore, #tpu.memory_space<semaphore_mem>>)
      } else {
      }
      %eq3A = arith.constant 0 : i32
      %eq3A_75 = arith.cmpi eq, %scan3A_53, %eq3A : i32
      %convert_element_type3A_76 = arith.extui %eq3A_75 : i1 to i32
      %cond3A_77 = arith.constant 0 : i32
      %cond3A_78 = arith.cmpi ne, %convert_element_type3A_76, %cond3A_77 : i32
      scf.if %cond3A_78 {
        %add3A_257 = arith.constant 4 : i32
        %add3A_258 = arith.addi %add3A_58, %add3A_257 : i32
        %dma_start3A_259 = arith.constant 0 : i32
        %dma_start3A_260 = tpu.memref_slice %arg5[%add3A_258, %dma_start3A_259] : memref<128x32xi32, #tpu.memory_space<vmem>> -> memref<1x32xi32, #tpu.memory_space<vmem>>
        %dma_start3A_261 = tpu.memref_squeeze %dma_start3A_260 : memref<1x32xi32, #tpu.memory_space<vmem>> -> memref<32xi32, #tpu.memory_space<vmem>>
        %dma_start3A_262 = arith.constant 0 : i32
        %dma_start3A_263 = arith.constant 0 : i32
        %dma_start3A_264 = tpu.memref_slice %arg2[%dma_start3A_262, %dma_start3A_263] : memref<50272x256xf32, #tpu.memory_space<hbm>> -> memref<50272x256xf32, #tpu.memory_space<hbm>>
        tpu.enqueue_indirect_dma source(%dma_start3A_264 : memref<50272x256xf32, #tpu.memory_space<hbm>>) target(%arg10 : memref<32x256xf32, #tpu.memory_space<vmem>>) offsets(%dma_start3A_261 : memref<32xi32, #tpu.memory_space<vmem>>) semaphore(%arg18 : memref<!tpu.dma_semaphore, #tpu.memory_space<semaphore_mem>>)
      } else {
      }
      %add3A_79 = arith.constant 1 : i32
      %add3A_80 = arith.addi %mul3A_56, %add3A_79 : i32
      %dma_wait3A_81 = arith.constant 0 : i32
      %dma_wait3A_82 = arith.constant 0 : i32
      %dma_wait3A_83 = tpu.memref_slice %arg5[%dma_wait3A_81, %dma_wait3A_82] : memref<128x32xi32, #tpu.memory_space<vmem>> -> memref<1x32xi32, #tpu.memory_space<vmem>>
      %dma_wait3A_84 = tpu.memref_squeeze %dma_wait3A_83 : memref<1x32xi32, #tpu.memory_space<vmem>> -> memref<32xi32, #tpu.memory_space<vmem>>
      %dma_wait3A_85 = arith.constant 0 : i32
      %dma_wait3A_86 = arith.constant 0 : i32
      %dma_wait3A_87 = tpu.memref_slice %arg2[%dma_wait3A_85, %dma_wait3A_86] : memref<50272x256xf32, #tpu.memory_space<hbm>> -> memref<50272x256xf32, #tpu.memory_space<hbm>>
      tpu.wait_indirect_dma semaphore(%arg15 : memref<!tpu.dma_semaphore, #tpu.memory_space<semaphore_mem>>) src(%dma_wait3A_87 : memref<50272x256xf32, #tpu.memory_space<hbm>>) dst(%arg7 : memref<32x256xf32, #tpu.memory_space<vmem>>)
      %mul3A_88 = arith.constant 32 : i32
      %mul3A_89 = arith.muli %add3A_80, %mul3A_88 : i32
      %add3A_90 = arith.addi %mul3A_2, %mul3A_89 : i32
      %dma_start3A_91 = arith.constant 0 : i32
      %dma_start3A_92 = tpu.memref_slice %arg4[%add3A_90, %dma_start3A_91] : memref<131072x256xf32, #tpu.memory_space<hbm>> -> memref<32x256xf32, #tpu.memory_space<hbm>>
      %dma_start3A_93 = arith.constant 0 : i32
      %dma_start3A_94 = tpu.memref_slice %arg4[%add3A_90, %dma_start3A_93] : memref<131072x256xf32, #tpu.memory_space<hbm>> -> memref<32x256xf32, #tpu.memory_space<hbm>>
      tpu.enqueue_dma source(%arg7 : memref<32x256xf32, #tpu.memory_space<vmem>>) target(%dma_start3A_94 : memref<32x256xf32, #tpu.memory_space<hbm>>) target_semaphore(%arg23 : memref<!tpu.dma_semaphore, #tpu.memory_space<semaphore_mem>>)
      %gt3A_95 = arith.constant 0 : i32
      %gt3A_96 = arith.cmpi sgt, %scan3A_53, %gt3A_95 : i32
      %convert_element_type3A_97 = arith.extui %gt3A_96 : i1 to i32
      %cond3A_98 = arith.constant 0 : i32
      %cond3A_99 = arith.cmpi ne, %convert_element_type3A_97, %cond3A_98 : i32
      scf.if %cond3A_99 {
        %dma_wait3A_257 = arith.constant 0 : i32
        %dma_wait3A_258 = tpu.memref_slice %arg4[%mul3A_2, %dma_wait3A_257] : memref<131072x256xf32, #tpu.memory_space<hbm>> -> memref<32x256xf32, #tpu.memory_space<hbm>>
        %dma_wait3A_259 = arith.constant 0 : i32
        %dma_wait3A_260 = tpu.memref_slice %arg4[%mul3A_2, %dma_wait3A_259] : memref<131072x256xf32, #tpu.memory_space<hbm>> -> memref<32x256xf32, #tpu.memory_space<hbm>>
        tpu.wait_dma2 semaphore(%arg27 : memref<!tpu.dma_semaphore, #tpu.memory_space<semaphore_mem>>) src(%arg11 : memref<32x256xf32, #tpu.memory_space<vmem>>) dst(%dma_wait3A_260 : memref<32x256xf32, #tpu.memory_space<hbm>>)
        %add3A_261 = arith.constant 4 : i32
        %add3A_262 = arith.addi %add3A_80, %add3A_261 : i32
        %dma_start3A_263 = arith.constant 0 : i32
        %dma_start3A_264 = tpu.memref_slice %arg5[%add3A_262, %dma_start3A_263] : memref<128x32xi32, #tpu.memory_space<vmem>> -> memref<1x32xi32, #tpu.memory_space<vmem>>
        %dma_start3A_265 = tpu.memref_squeeze %dma_start3A_264 : memref<1x32xi32, #tpu.memory_space<vmem>> -> memref<32xi32, #tpu.memory_space<vmem>>
        %dma_start3A_266 = arith.constant 0 : i32
        %dma_start3A_267 = arith.constant 0 : i32
        %dma_start3A_268 = tpu.memref_slice %arg2[%dma_start3A_266, %dma_start3A_267] : memref<50272x256xf32, #tpu.memory_space<hbm>> -> memref<50272x256xf32, #tpu.memory_space<hbm>>
        tpu.enqueue_indirect_dma source(%dma_start3A_268 : memref<50272x256xf32, #tpu.memory_space<hbm>>) target(%arg11 : memref<32x256xf32, #tpu.memory_space<vmem>>) offsets(%dma_start3A_265 : memref<32xi32, #tpu.memory_space<vmem>>) semaphore(%arg19 : memref<!tpu.dma_semaphore, #tpu.memory_space<semaphore_mem>>)
      } else {
      }
      %eq3A_100 = arith.constant 0 : i32
      %eq3A_101 = arith.cmpi eq, %scan3A_53, %eq3A_100 : i32
      %convert_element_type3A_102 = arith.extui %eq3A_101 : i1 to i32
      %cond3A_103 = arith.constant 0 : i32
      %cond3A_104 = arith.cmpi ne, %convert_element_type3A_102, %cond3A_103 : i32
      scf.if %cond3A_104 {
        %add3A_257 = arith.constant 4 : i32
        %add3A_258 = arith.addi %add3A_80, %add3A_257 : i32
        %dma_start3A_259 = arith.constant 0 : i32
        %dma_start3A_260 = tpu.memref_slice %arg5[%add3A_258, %dma_start3A_259] : memref<128x32xi32, #tpu.memory_space<vmem>> -> memref<1x32xi32, #tpu.memory_space<vmem>>
        %dma_start3A_261 = tpu.memref_squeeze %dma_start3A_260 : memref<1x32xi32, #tpu.memory_space<vmem>> -> memref<32xi32, #tpu.memory_space<vmem>>
        %dma_start3A_262 = arith.constant 0 : i32
        %dma_start3A_263 = arith.constant 0 : i32
        %dma_start3A_264 = tpu.memref_slice %arg2[%dma_start3A_262, %dma_start3A_263] : memref<50272x256xf32, #tpu.memory_space<hbm>> -> memref<50272x256xf32, #tpu.memory_space<hbm>>
        tpu.enqueue_indirect_dma source(%dma_start3A_264 : memref<50272x256xf32, #tpu.memory_space<hbm>>) target(%arg11 : memref<32x256xf32, #tpu.memory_space<vmem>>) offsets(%dma_start3A_261 : memref<32xi32, #tpu.memory_space<vmem>>) semaphore(%arg19 : memref<!tpu.dma_semaphore, #tpu.memory_space<semaphore_mem>>)
      } else {
      }
      %add3A_105 = arith.constant 2 : i32
      %add3A_106 = arith.addi %mul3A_56, %add3A_105 : i32
      %dma_wait3A_107 = arith.constant 0 : i32
      %dma_wait3A_108 = arith.constant 0 : i32
      %dma_wait3A_109 = tpu.memref_slice %arg5[%dma_wait3A_107, %dma_wait3A_108] : memref<128x32xi32, #tpu.memory_space<vmem>> -> memref<1x32xi32, #tpu.memory_space<vmem>>
      %dma_wait3A_110 = tpu.memref_squeeze %dma_wait3A_109 : memref<1x32xi32, #tpu.memory_space<vmem>> -> memref<32xi32, #tpu.memory_space<vmem>>
      %dma_wait3A_111 = arith.constant 0 : i32
      %dma_wait3A_112 = arith.constant 0 : i32
      %dma_wait3A_113 = tpu.memref_slice %arg2[%dma_wait3A_111, %dma_wait3A_112] : memref<50272x256xf32, #tpu.memory_space<hbm>> -> memref<50272x256xf32, #tpu.memory_space<hbm>>
      tpu.wait_indirect_dma semaphore(%arg16 : memref<!tpu.dma_semaphore, #tpu.memory_space<semaphore_mem>>) src(%dma_wait3A_113 : memref<50272x256xf32, #tpu.memory_space<hbm>>) dst(%arg8 : memref<32x256xf32, #tpu.memory_space<vmem>>)
      %mul3A_114 = arith.constant 32 : i32
      %mul3A_115 = arith.muli %add3A_106, %mul3A_114 : i32
      %add3A_116 = arith.addi %mul3A_2, %mul3A_115 : i32
      %dma_start3A_117 = arith.constant 0 : i32
      %dma_start3A_118 = tpu.memref_slice %arg4[%add3A_116, %dma_start3A_117] : memref<131072x256xf32, #tpu.memory_space<hbm>> -> memref<32x256xf32, #tpu.memory_space<hbm>>
      %dma_start3A_119 = arith.constant 0 : i32
      %dma_start3A_120 = tpu.memref_slice %arg4[%add3A_116, %dma_start3A_119] : memref<131072x256xf32, #tpu.memory_space<hbm>> -> memref<32x256xf32, #tpu.memory_space<hbm>>
      tpu.enqueue_dma source(%arg8 : memref<32x256xf32, #tpu.memory_space<vmem>>) target(%dma_start3A_120 : memref<32x256xf32, #tpu.memory_space<hbm>>) target_semaphore(%arg24 : memref<!tpu.dma_semaphore, #tpu.memory_space<semaphore_mem>>)
      %gt3A_121 = arith.constant 0 : i32
      %gt3A_122 = arith.cmpi sgt, %scan3A_53, %gt3A_121 : i32
      %convert_element_type3A_123 = arith.extui %gt3A_122 : i1 to i32
      %cond3A_124 = arith.constant 0 : i32
      %cond3A_125 = arith.cmpi ne, %convert_element_type3A_123, %cond3A_124 : i32
      scf.if %cond3A_125 {
        %dma_wait3A_257 = arith.constant 0 : i32
        %dma_wait3A_258 = tpu.memref_slice %arg4[%mul3A_2, %dma_wait3A_257] : memref<131072x256xf32, #tpu.memory_space<hbm>> -> memref<32x256xf32, #tpu.memory_space<hbm>>
        %dma_wait3A_259 = arith.constant 0 : i32
        %dma_wait3A_260 = tpu.memref_slice %arg4[%mul3A_2, %dma_wait3A_259] : memref<131072x256xf32, #tpu.memory_space<hbm>> -> memref<32x256xf32, #tpu.memory_space<hbm>>
        tpu.wait_dma2 semaphore(%arg28 : memref<!tpu.dma_semaphore, #tpu.memory_space<semaphore_mem>>) src(%arg12 : memref<32x256xf32, #tpu.memory_space<vmem>>) dst(%dma_wait3A_260 : memref<32x256xf32, #tpu.memory_space<hbm>>)
        %add3A_261 = arith.constant 4 : i32
        %add3A_262 = arith.addi %add3A_106, %add3A_261 : i32
        %dma_start3A_263 = arith.constant 0 : i32
        %dma_start3A_264 = tpu.memref_slice %arg5[%add3A_262, %dma_start3A_263] : memref<128x32xi32, #tpu.memory_space<vmem>> -> memref<1x32xi32, #tpu.memory_space<vmem>>
        %dma_start3A_265 = tpu.memref_squeeze %dma_start3A_264 : memref<1x32xi32, #tpu.memory_space<vmem>> -> memref<32xi32, #tpu.memory_space<vmem>>
        %dma_start3A_266 = arith.constant 0 : i32
        %dma_start3A_267 = arith.constant 0 : i32
        %dma_start3A_268 = tpu.memref_slice %arg2[%dma_start3A_266, %dma_start3A_267] : memref<50272x256xf32, #tpu.memory_space<hbm>> -> memref<50272x256xf32, #tpu.memory_space<hbm>>
        tpu.enqueue_indirect_dma source(%dma_start3A_268 : memref<50272x256xf32, #tpu.memory_space<hbm>>) target(%arg12 : memref<32x256xf32, #tpu.memory_space<vmem>>) offsets(%dma_start3A_265 : memref<32xi32, #tpu.memory_space<vmem>>) semaphore(%arg20 : memref<!tpu.dma_semaphore, #tpu.memory_space<semaphore_mem>>)
      } else {
      }
      %eq3A_126 = arith.constant 0 : i32
      %eq3A_127 = arith.cmpi eq, %scan3A_53, %eq3A_126 : i32
      %convert_element_type3A_128 = arith.extui %eq3A_127 : i1 to i32
      %cond3A_129 = arith.constant 0 : i32
      %cond3A_130 = arith.cmpi ne, %convert_element_type3A_128, %cond3A_129 : i32
      scf.if %cond3A_130 {
        %add3A_257 = arith.constant 4 : i32
        %add3A_258 = arith.addi %add3A_106, %add3A_257 : i32
        %dma_start3A_259 = arith.constant 0 : i32
        %dma_start3A_260 = tpu.memref_slice %arg5[%add3A_258, %dma_start3A_259] : memref<128x32xi32, #tpu.memory_space<vmem>> -> memref<1x32xi32, #tpu.memory_space<vmem>>
        %dma_start3A_261 = tpu.memref_squeeze %dma_start3A_260 : memref<1x32xi32, #tpu.memory_space<vmem>> -> memref<32xi32, #tpu.memory_space<vmem>>
        %dma_start3A_262 = arith.constant 0 : i32
        %dma_start3A_263 = arith.constant 0 : i32
        %dma_start3A_264 = tpu.memref_slice %arg2[%dma_start3A_262, %dma_start3A_263] : memref<50272x256xf32, #tpu.memory_space<hbm>> -> memref<50272x256xf32, #tpu.memory_space<hbm>>
        tpu.enqueue_indirect_dma source(%dma_start3A_264 : memref<50272x256xf32, #tpu.memory_space<hbm>>) target(%arg12 : memref<32x256xf32, #tpu.memory_space<vmem>>) offsets(%dma_start3A_261 : memref<32xi32, #tpu.memory_space<vmem>>) semaphore(%arg20 : memref<!tpu.dma_semaphore, #tpu.memory_space<semaphore_mem>>)
      } else {
      }
      %add3A_131 = arith.constant 3 : i32
      %add3A_132 = arith.addi %mul3A_56, %add3A_131 : i32
      %dma_wait3A_133 = arith.constant 0 : i32
      %dma_wait3A_134 = arith.constant 0 : i32
      %dma_wait3A_135 = tpu.memref_slice %arg5[%dma_wait3A_133, %dma_wait3A_134] : memref<128x32xi32, #tpu.memory_space<vmem>> -> memref<1x32xi32, #tpu.memory_space<vmem>>
      %dma_wait3A_136 = tpu.memref_squeeze %dma_wait3A_135 : memref<1x32xi32, #tpu.memory_space<vmem>> -> memref<32xi32, #tpu.memory_space<vmem>>
      %dma_wait3A_137 = arith.constant 0 : i32
      %dma_wait3A_138 = arith.constant 0 : i32
      %dma_wait3A_139 = tpu.memref_slice %arg2[%dma_wait3A_137, %dma_wait3A_138] : memref<50272x256xf32, #tpu.memory_space<hbm>> -> memref<50272x256xf32, #tpu.memory_space<hbm>>
      tpu.wait_indirect_dma semaphore(%arg17 : memref<!tpu.dma_semaphore, #tpu.memory_space<semaphore_mem>>) src(%dma_wait3A_139 : memref<50272x256xf32, #tpu.memory_space<hbm>>) dst(%arg9 : memref<32x256xf32, #tpu.memory_space<vmem>>)
      %mul3A_140 = arith.constant 32 : i32
      %mul3A_141 = arith.muli %add3A_132, %mul3A_140 : i32
      %add3A_142 = arith.addi %mul3A_2, %mul3A_141 : i32
      %dma_start3A_143 = arith.constant 0 : i32
      %dma_start3A_144 = tpu.memref_slice %arg4[%add3A_142, %dma_start3A_143] : memref<131072x256xf32, #tpu.memory_space<hbm>> -> memref<32x256xf32, #tpu.memory_space<hbm>>
      %dma_start3A_145 = arith.constant 0 : i32
      %dma_start3A_146 = tpu.memref_slice %arg4[%add3A_142, %dma_start3A_145] : memref<131072x256xf32, #tpu.memory_space<hbm>> -> memref<32x256xf32, #tpu.memory_space<hbm>>
      tpu.enqueue_dma source(%arg9 : memref<32x256xf32, #tpu.memory_space<vmem>>) target(%dma_start3A_146 : memref<32x256xf32, #tpu.memory_space<hbm>>) target_semaphore(%arg25 : memref<!tpu.dma_semaphore, #tpu.memory_space<semaphore_mem>>)
      %gt3A_147 = arith.constant 0 : i32
      %gt3A_148 = arith.cmpi sgt, %scan3A_53, %gt3A_147 : i32
      %convert_element_type3A_149 = arith.extui %gt3A_148 : i1 to i32
      %cond3A_150 = arith.constant 0 : i32
      %cond3A_151 = arith.cmpi ne, %convert_element_type3A_149, %cond3A_150 : i32
      scf.if %cond3A_151 {
        %dma_wait3A_257 = arith.constant 0 : i32
        %dma_wait3A_258 = tpu.memref_slice %arg4[%mul3A_2, %dma_wait3A_257] : memref<131072x256xf32, #tpu.memory_space<hbm>> -> memref<32x256xf32, #tpu.memory_space<hbm>>
        %dma_wait3A_259 = arith.constant 0 : i32
        %dma_wait3A_260 = tpu.memref_slice %arg4[%mul3A_2, %dma_wait3A_259] : memref<131072x256xf32, #tpu.memory_space<hbm>> -> memref<32x256xf32, #tpu.memory_space<hbm>>
        tpu.wait_dma2 semaphore(%arg29 : memref<!tpu.dma_semaphore, #tpu.memory_space<semaphore_mem>>) src(%arg13 : memref<32x256xf32, #tpu.memory_space<vmem>>) dst(%dma_wait3A_260 : memref<32x256xf32, #tpu.memory_space<hbm>>)
        %add3A_261 = arith.constant 4 : i32
        %add3A_262 = arith.addi %add3A_132, %add3A_261 : i32
        %dma_start3A_263 = arith.constant 0 : i32
        %dma_start3A_264 = tpu.memref_slice %arg5[%add3A_262, %dma_start3A_263] : memref<128x32xi32, #tpu.memory_space<vmem>> -> memref<1x32xi32, #tpu.memory_space<vmem>>
        %dma_start3A_265 = tpu.memref_squeeze %dma_start3A_264 : memref<1x32xi32, #tpu.memory_space<vmem>> -> memref<32xi32, #tpu.memory_space<vmem>>
        %dma_start3A_266 = arith.constant 0 : i32
        %dma_start3A_267 = arith.constant 0 : i32
        %dma_start3A_268 = tpu.memref_slice %arg2[%dma_start3A_266, %dma_start3A_267] : memref<50272x256xf32, #tpu.memory_space<hbm>> -> memref<50272x256xf32, #tpu.memory_space<hbm>>
        tpu.enqueue_indirect_dma source(%dma_start3A_268 : memref<50272x256xf32, #tpu.memory_space<hbm>>) target(%arg13 : memref<32x256xf32, #tpu.memory_space<vmem>>) offsets(%dma_start3A_265 : memref<32xi32, #tpu.memory_space<vmem>>) semaphore(%arg21 : memref<!tpu.dma_semaphore, #tpu.memory_space<semaphore_mem>>)
      } else {
      }
      %eq3A_152 = arith.constant 0 : i32
      %eq3A_153 = arith.cmpi eq, %scan3A_53, %eq3A_152 : i32
      %convert_element_type3A_154 = arith.extui %eq3A_153 : i1 to i32
      %cond3A_155 = arith.constant 0 : i32
      %cond3A_156 = arith.cmpi ne, %convert_element_type3A_154, %cond3A_155 : i32
      scf.if %cond3A_156 {
        %add3A_257 = arith.constant 4 : i32
        %add3A_258 = arith.addi %add3A_132, %add3A_257 : i32
        %dma_start3A_259 = arith.constant 0 : i32
        %dma_start3A_260 = tpu.memref_slice %arg5[%add3A_258, %dma_start3A_259] : memref<128x32xi32, #tpu.memory_space<vmem>> -> memref<1x32xi32, #tpu.memory_space<vmem>>
        %dma_start3A_261 = tpu.memref_squeeze %dma_start3A_260 : memref<1x32xi32, #tpu.memory_space<vmem>> -> memref<32xi32, #tpu.memory_space<vmem>>
        %dma_start3A_262 = arith.constant 0 : i32
        %dma_start3A_263 = arith.constant 0 : i32
        %dma_start3A_264 = tpu.memref_slice %arg2[%dma_start3A_262, %dma_start3A_263] : memref<50272x256xf32, #tpu.memory_space<hbm>> -> memref<50272x256xf32, #tpu.memory_space<hbm>>
        tpu.enqueue_indirect_dma source(%dma_start3A_264 : memref<50272x256xf32, #tpu.memory_space<hbm>>) target(%arg13 : memref<32x256xf32, #tpu.memory_space<vmem>>) offsets(%dma_start3A_261 : memref<32xi32, #tpu.memory_space<vmem>>) semaphore(%arg21 : memref<!tpu.dma_semaphore, #tpu.memory_space<semaphore_mem>>)
      } else {
      }
      %add3A_157 = arith.constant 4 : i32
      %add3A_158 = arith.addi %mul3A_56, %add3A_157 : i32
      %dma_wait3A_159 = arith.constant 0 : i32
      %dma_wait3A_160 = arith.constant 0 : i32
      %dma_wait3A_161 = tpu.memref_slice %arg5[%dma_wait3A_159, %dma_wait3A_160] : memref<128x32xi32, #tpu.memory_space<vmem>> -> memref<1x32xi32, #tpu.memory_space<vmem>>
      %dma_wait3A_162 = tpu.memref_squeeze %dma_wait3A_161 : memref<1x32xi32, #tpu.memory_space<vmem>> -> memref<32xi32, #tpu.memory_space<vmem>>
      %dma_wait3A_163 = arith.constant 0 : i32
      %dma_wait3A_164 = arith.constant 0 : i32
      %dma_wait3A_165 = tpu.memref_slice %arg2[%dma_wait3A_163, %dma_wait3A_164] : memref<50272x256xf32, #tpu.memory_space<hbm>> -> memref<50272x256xf32, #tpu.memory_space<hbm>>
      tpu.wait_indirect_dma semaphore(%arg18 : memref<!tpu.dma_semaphore, #tpu.memory_space<semaphore_mem>>) src(%dma_wait3A_165 : memref<50272x256xf32, #tpu.memory_space<hbm>>) dst(%arg10 : memref<32x256xf32, #tpu.memory_space<vmem>>)
      %mul3A_166 = arith.constant 32 : i32
      %mul3A_167 = arith.muli %add3A_158, %mul3A_166 : i32
      %add3A_168 = arith.addi %mul3A_2, %mul3A_167 : i32
      %dma_start3A_169 = arith.constant 0 : i32
      %dma_start3A_170 = tpu.memref_slice %arg4[%add3A_168, %dma_start3A_169] : memref<131072x256xf32, #tpu.memory_space<hbm>> -> memref<32x256xf32, #tpu.memory_space<hbm>>
      %dma_start3A_171 = arith.constant 0 : i32
      %dma_start3A_172 = tpu.memref_slice %arg4[%add3A_168, %dma_start3A_171] : memref<131072x256xf32, #tpu.memory_space<hbm>> -> memref<32x256xf32, #tpu.memory_space<hbm>>
      tpu.enqueue_dma source(%arg10 : memref<32x256xf32, #tpu.memory_space<vmem>>) target(%dma_start3A_172 : memref<32x256xf32, #tpu.memory_space<hbm>>) target_semaphore(%arg26 : memref<!tpu.dma_semaphore, #tpu.memory_space<semaphore_mem>>)
      %dma_wait3A_173 = arith.constant 0 : i32
      %dma_wait3A_174 = tpu.memref_slice %arg4[%mul3A_2, %dma_wait3A_173] : memref<131072x256xf32, #tpu.memory_space<hbm>> -> memref<32x256xf32, #tpu.memory_space<hbm>>
      %dma_wait3A_175 = arith.constant 0 : i32
      %dma_wait3A_176 = tpu.memref_slice %arg4[%mul3A_2, %dma_wait3A_175] : memref<131072x256xf32, #tpu.memory_space<hbm>> -> memref<32x256xf32, #tpu.memory_space<hbm>>
      tpu.wait_dma2 semaphore(%arg22 : memref<!tpu.dma_semaphore, #tpu.memory_space<semaphore_mem>>) src(%arg6 : memref<32x256xf32, #tpu.memory_space<vmem>>) dst(%dma_wait3A_176 : memref<32x256xf32, #tpu.memory_space<hbm>>)
      %lt3A = arith.constant 15 : i32
      %lt3A_177 = arith.cmpi slt, %scan3A_53, %lt3A : i32
      %convert_element_type3A_178 = arith.extui %lt3A_177 : i1 to i32
      %cond3A_179 = arith.constant 0 : i32
      %cond3A_180 = arith.cmpi ne, %convert_element_type3A_178, %cond3A_179 : i32
      scf.if %cond3A_180 {
        %add3A_257 = arith.constant 4 : i32
        %add3A_258 = arith.addi %add3A_158, %add3A_257 : i32
        %dma_start3A_259 = arith.constant 0 : i32
        %dma_start3A_260 = tpu.memref_slice %arg5[%add3A_258, %dma_start3A_259] : memref<128x32xi32, #tpu.memory_space<vmem>> -> memref<1x32xi32, #tpu.memory_space<vmem>>
        %dma_start3A_261 = tpu.memref_squeeze %dma_start3A_260 : memref<1x32xi32, #tpu.memory_space<vmem>> -> memref<32xi32, #tpu.memory_space<vmem>>
        %dma_start3A_262 = arith.constant 0 : i32
        %dma_start3A_263 = arith.constant 0 : i32
        %dma_start3A_264 = tpu.memref_slice %arg2[%dma_start3A_262, %dma_start3A_263] : memref<50272x256xf32, #tpu.memory_space<hbm>> -> memref<50272x256xf32, #tpu.memory_space<hbm>>
        tpu.enqueue_indirect_dma source(%dma_start3A_264 : memref<50272x256xf32, #tpu.memory_space<hbm>>) target(%arg6 : memref<32x256xf32, #tpu.memory_space<vmem>>) offsets(%dma_start3A_261 : memref<32xi32, #tpu.memory_space<vmem>>) semaphore(%arg14 : memref<!tpu.dma_semaphore, #tpu.memory_space<semaphore_mem>>)
      } else {
      }
      %add3A_181 = arith.constant 5 : i32
      %add3A_182 = arith.addi %mul3A_56, %add3A_181 : i32
      %dma_wait3A_183 = arith.constant 0 : i32
      %dma_wait3A_184 = arith.constant 0 : i32
      %dma_wait3A_185 = tpu.memref_slice %arg5[%dma_wait3A_183, %dma_wait3A_184] : memref<128x32xi32, #tpu.memory_space<vmem>> -> memref<1x32xi32, #tpu.memory_space<vmem>>
      %dma_wait3A_186 = tpu.memref_squeeze %dma_wait3A_185 : memref<1x32xi32, #tpu.memory_space<vmem>> -> memref<32xi32, #tpu.memory_space<vmem>>
      %dma_wait3A_187 = arith.constant 0 : i32
      %dma_wait3A_188 = arith.constant 0 : i32
      %dma_wait3A_189 = tpu.memref_slice %arg2[%dma_wait3A_187, %dma_wait3A_188] : memref<50272x256xf32, #tpu.memory_space<hbm>> -> memref<50272x256xf32, #tpu.memory_space<hbm>>
      tpu.wait_indirect_dma semaphore(%arg19 : memref<!tpu.dma_semaphore, #tpu.memory_space<semaphore_mem>>) src(%dma_wait3A_189 : memref<50272x256xf32, #tpu.memory_space<hbm>>) dst(%arg11 : memref<32x256xf32, #tpu.memory_space<vmem>>)
      %mul3A_190 = arith.constant 32 : i32
      %mul3A_191 = arith.muli %add3A_182, %mul3A_190 : i32
      %add3A_192 = arith.addi %mul3A_2, %mul3A_191 : i32
      %dma_start3A_193 = arith.constant 0 : i32
      %dma_start3A_194 = tpu.memref_slice %arg4[%add3A_192, %dma_start3A_193] : memref<131072x256xf32, #tpu.memory_space<hbm>> -> memref<32x256xf32, #tpu.memory_space<hbm>>
      %dma_start3A_195 = arith.constant 0 : i32
      %dma_start3A_196 = tpu.memref_slice %arg4[%add3A_192, %dma_start3A_195] : memref<131072x256xf32, #tpu.memory_space<hbm>> -> memref<32x256xf32, #tpu.memory_space<hbm>>
      tpu.enqueue_dma source(%arg11 : memref<32x256xf32, #tpu.memory_space<vmem>>) target(%dma_start3A_196 : memref<32x256xf32, #tpu.memory_space<hbm>>) target_semaphore(%arg27 : memref<!tpu.dma_semaphore, #tpu.memory_space<semaphore_mem>>)
      %dma_wait3A_197 = arith.constant 0 : i32
      %dma_wait3A_198 = tpu.memref_slice %arg4[%mul3A_2, %dma_wait3A_197] : memref<131072x256xf32, #tpu.memory_space<hbm>> -> memref<32x256xf32, #tpu.memory_space<hbm>>
      %dma_wait3A_199 = arith.constant 0 : i32
      %dma_wait3A_200 = tpu.memref_slice %arg4[%mul3A_2, %dma_wait3A_199] : memref<131072x256xf32, #tpu.memory_space<hbm>> -> memref<32x256xf32, #tpu.memory_space<hbm>>
      tpu.wait_dma2 semaphore(%arg23 : memref<!tpu.dma_semaphore, #tpu.memory_space<semaphore_mem>>) src(%arg7 : memref<32x256xf32, #tpu.memory_space<vmem>>) dst(%dma_wait3A_200 : memref<32x256xf32, #tpu.memory_space<hbm>>)
      %lt3A_201 = arith.constant 15 : i32
      %lt3A_202 = arith.cmpi slt, %scan3A_53, %lt3A_201 : i32
      %convert_element_type3A_203 = arith.extui %lt3A_202 : i1 to i32
      %cond3A_204 = arith.constant 0 : i32
      %cond3A_205 = arith.cmpi ne, %convert_element_type3A_203, %cond3A_204 : i32
      scf.if %cond3A_205 {
        %add3A_257 = arith.constant 4 : i32
        %add3A_258 = arith.addi %add3A_182, %add3A_257 : i32
        %dma_start3A_259 = arith.constant 0 : i32
        %dma_start3A_260 = tpu.memref_slice %arg5[%add3A_258, %dma_start3A_259] : memref<128x32xi32, #tpu.memory_space<vmem>> -> memref<1x32xi32, #tpu.memory_space<vmem>>
        %dma_start3A_261 = tpu.memref_squeeze %dma_start3A_260 : memref<1x32xi32, #tpu.memory_space<vmem>> -> memref<32xi32, #tpu.memory_space<vmem>>
        %dma_start3A_262 = arith.constant 0 : i32
        %dma_start3A_263 = arith.constant 0 : i32
        %dma_start3A_264 = tpu.memref_slice %arg2[%dma_start3A_262, %dma_start3A_263] : memref<50272x256xf32, #tpu.memory_space<hbm>> -> memref<50272x256xf32, #tpu.memory_space<hbm>>
        tpu.enqueue_indirect_dma source(%dma_start3A_264 : memref<50272x256xf32, #tpu.memory_space<hbm>>) target(%arg7 : memref<32x256xf32, #tpu.memory_space<vmem>>) offsets(%dma_start3A_261 : memref<32xi32, #tpu.memory_space<vmem>>) semaphore(%arg15 : memref<!tpu.dma_semaphore, #tpu.memory_space<semaphore_mem>>)
      } else {
      }
      %add3A_206 = arith.constant 6 : i32
      %add3A_207 = arith.addi %mul3A_56, %add3A_206 : i32
      %dma_wait3A_208 = arith.constant 0 : i32
      %dma_wait3A_209 = arith.constant 0 : i32
      %dma_wait3A_210 = tpu.memref_slice %arg5[%dma_wait3A_208, %dma_wait3A_209] : memref<128x32xi32, #tpu.memory_space<vmem>> -> memref<1x32xi32, #tpu.memory_space<vmem>>
      %dma_wait3A_211 = tpu.memref_squeeze %dma_wait3A_210 : memref<1x32xi32, #tpu.memory_space<vmem>> -> memref<32xi32, #tpu.memory_space<vmem>>
      %dma_wait3A_212 = arith.constant 0 : i32
      %dma_wait3A_213 = arith.constant 0 : i32
      %dma_wait3A_214 = tpu.memref_slice %arg2[%dma_wait3A_212, %dma_wait3A_213] : memref<50272x256xf32, #tpu.memory_space<hbm>> -> memref<50272x256xf32, #tpu.memory_space<hbm>>
      tpu.wait_indirect_dma semaphore(%arg20 : memref<!tpu.dma_semaphore, #tpu.memory_space<semaphore_mem>>) src(%dma_wait3A_214 : memref<50272x256xf32, #tpu.memory_space<hbm>>) dst(%arg12 : memref<32x256xf32, #tpu.memory_space<vmem>>)
      %mul3A_215 = arith.constant 32 : i32
      %mul3A_216 = arith.muli %add3A_207, %mul3A_215 : i32
      %add3A_217 = arith.addi %mul3A_2, %mul3A_216 : i32
      %dma_start3A_218 = arith.constant 0 : i32
      %dma_start3A_219 = tpu.memref_slice %arg4[%add3A_217, %dma_start3A_218] : memref<131072x256xf32, #tpu.memory_space<hbm>> -> memref<32x256xf32, #tpu.memory_space<hbm>>
      %dma_start3A_220 = arith.constant 0 : i32
      %dma_start3A_221 = tpu.memref_slice %arg4[%add3A_217, %dma_start3A_220] : memref<131072x256xf32, #tpu.memory_space<hbm>> -> memref<32x256xf32, #tpu.memory_space<hbm>>
      tpu.enqueue_dma source(%arg12 : memref<32x256xf32, #tpu.memory_space<vmem>>) target(%dma_start3A_221 : memref<32x256xf32, #tpu.memory_space<hbm>>) target_semaphore(%arg28 : memref<!tpu.dma_semaphore, #tpu.memory_space<semaphore_mem>>)
      %dma_wait3A_222 = arith.constant 0 : i32
      %dma_wait3A_223 = tpu.memref_slice %arg4[%mul3A_2, %dma_wait3A_222] : memref<131072x256xf32, #tpu.memory_space<hbm>> -> memref<32x256xf32, #tpu.memory_space<hbm>>
      %dma_wait3A_224 = arith.constant 0 : i32
      %dma_wait3A_225 = tpu.memref_slice %arg4[%mul3A_2, %dma_wait3A_224] : memref<131072x256xf32, #tpu.memory_space<hbm>> -> memref<32x256xf32, #tpu.memory_space<hbm>>
      tpu.wait_dma2 semaphore(%arg24 : memref<!tpu.dma_semaphore, #tpu.memory_space<semaphore_mem>>) src(%arg8 : memref<32x256xf32, #tpu.memory_space<vmem>>) dst(%dma_wait3A_225 : memref<32x256xf32, #tpu.memory_space<hbm>>)
      %lt3A_226 = arith.constant 15 : i32
      %lt3A_227 = arith.cmpi slt, %scan3A_53, %lt3A_226 : i32
      %convert_element_type3A_228 = arith.extui %lt3A_227 : i1 to i32
      %cond3A_229 = arith.constant 0 : i32
      %cond3A_230 = arith.cmpi ne, %convert_element_type3A_228, %cond3A_229 : i32
      scf.if %cond3A_230 {
        %add3A_257 = arith.constant 4 : i32
        %add3A_258 = arith.addi %add3A_207, %add3A_257 : i32
        %dma_start3A_259 = arith.constant 0 : i32
        %dma_start3A_260 = tpu.memref_slice %arg5[%add3A_258, %dma_start3A_259] : memref<128x32xi32, #tpu.memory_space<vmem>> -> memref<1x32xi32, #tpu.memory_space<vmem>>
        %dma_start3A_261 = tpu.memref_squeeze %dma_start3A_260 : memref<1x32xi32, #tpu.memory_space<vmem>> -> memref<32xi32, #tpu.memory_space<vmem>>
        %dma_start3A_262 = arith.constant 0 : i32
        %dma_start3A_263 = arith.constant 0 : i32
        %dma_start3A_264 = tpu.memref_slice %arg2[%dma_start3A_262, %dma_start3A_263] : memref<50272x256xf32, #tpu.memory_space<hbm>> -> memref<50272x256xf32, #tpu.memory_space<hbm>>
        tpu.enqueue_indirect_dma source(%dma_start3A_264 : memref<50272x256xf32, #tpu.memory_space<hbm>>) target(%arg8 : memref<32x256xf32, #tpu.memory_space<vmem>>) offsets(%dma_start3A_261 : memref<32xi32, #tpu.memory_space<vmem>>) semaphore(%arg16 : memref<!tpu.dma_semaphore, #tpu.memory_space<semaphore_mem>>)
      } else {
      }
      %add3A_231 = arith.constant 7 : i32
      %add3A_232 = arith.addi %mul3A_56, %add3A_231 : i32
      %dma_wait3A_233 = arith.constant 0 : i32
      %dma_wait3A_234 = arith.constant 0 : i32
      %dma_wait3A_235 = tpu.memref_slice %arg5[%dma_wait3A_233, %dma_wait3A_234] : memref<128x32xi32, #tpu.memory_space<vmem>> -> memref<1x32xi32, #tpu.memory_space<vmem>>
      %dma_wait3A_236 = tpu.memref_squeeze %dma_wait3A_235 : memref<1x32xi32, #tpu.memory_space<vmem>> -> memref<32xi32, #tpu.memory_space<vmem>>
      %dma_wait3A_237 = arith.constant 0 : i32
      %dma_wait3A_238 = arith.constant 0 : i32
      %dma_wait3A_239 = tpu.memref_slice %arg2[%dma_wait3A_237, %dma_wait3A_238] : memref<50272x256xf32, #tpu.memory_space<hbm>> -> memref<50272x256xf32, #tpu.memory_space<hbm>>
      tpu.wait_indirect_dma semaphore(%arg21 : memref<!tpu.dma_semaphore, #tpu.memory_space<semaphore_mem>>) src(%dma_wait3A_239 : memref<50272x256xf32, #tpu.memory_space<hbm>>) dst(%arg13 : memref<32x256xf32, #tpu.memory_space<vmem>>)
      %mul3A_240 = arith.constant 32 : i32
      %mul3A_241 = arith.muli %add3A_232, %mul3A_240 : i32
      %add3A_242 = arith.addi %mul3A_2, %mul3A_241 : i32
      %dma_start3A_243 = arith.constant 0 : i32
      %dma_start3A_244 = tpu.memref_slice %arg4[%add3A_242, %dma_start3A_243] : memref<131072x256xf32, #tpu.memory_space<hbm>> -> memref<32x256xf32, #tpu.memory_space<hbm>>
      %dma_start3A_245 = arith.constant 0 : i32
      %dma_start3A_246 = tpu.memref_slice %arg4[%add3A_242, %dma_start3A_245] : memref<131072x256xf32, #tpu.memory_space<hbm>> -> memref<32x256xf32, #tpu.memory_space<hbm>>
      tpu.enqueue_dma source(%arg13 : memref<32x256xf32, #tpu.memory_space<vmem>>) target(%dma_start3A_246 : memref<32x256xf32, #tpu.memory_space<hbm>>) target_semaphore(%arg29 : memref<!tpu.dma_semaphore, #tpu.memory_space<semaphore_mem>>)
      %dma_wait3A_247 = arith.constant 0 : i32
      %dma_wait3A_248 = tpu.memref_slice %arg4[%mul3A_2, %dma_wait3A_247] : memref<131072x256xf32, #tpu.memory_space<hbm>> -> memref<32x256xf32, #tpu.memory_space<hbm>>
      %dma_wait3A_249 = arith.constant 0 : i32
      %dma_wait3A_250 = tpu.memref_slice %arg4[%mul3A_2, %dma_wait3A_249] : memref<131072x256xf32, #tpu.memory_space<hbm>> -> memref<32x256xf32, #tpu.memory_space<hbm>>
      tpu.wait_dma2 semaphore(%arg25 : memref<!tpu.dma_semaphore, #tpu.memory_space<semaphore_mem>>) src(%arg9 : memref<32x256xf32, #tpu.memory_space<vmem>>) dst(%dma_wait3A_250 : memref<32x256xf32, #tpu.memory_space<hbm>>)
      %lt3A_251 = arith.constant 15 : i32
      %lt3A_252 = arith.cmpi slt, %scan3A_53, %lt3A_251 : i32
      %convert_element_type3A_253 = arith.extui %lt3A_252 : i1 to i32
      %cond3A_254 = arith.constant 0 : i32
      %cond3A_255 = arith.cmpi ne, %convert_element_type3A_253, %cond3A_254 : i32
      scf.if %cond3A_255 {
        %add3A_257 = arith.constant 4 : i32
        %add3A_258 = arith.addi %add3A_232, %add3A_257 : i32
        %dma_start3A_259 = arith.constant 0 : i32
        %dma_start3A_260 = tpu.memref_slice %arg5[%add3A_258, %dma_start3A_259] : memref<128x32xi32, #tpu.memory_space<vmem>> -> memref<1x32xi32, #tpu.memory_space<vmem>>
        %dma_start3A_261 = tpu.memref_squeeze %dma_start3A_260 : memref<1x32xi32, #tpu.memory_space<vmem>> -> memref<32xi32, #tpu.memory_space<vmem>>
        %dma_start3A_262 = arith.constant 0 : i32
        %dma_start3A_263 = arith.constant 0 : i32
        %dma_start3A_264 = tpu.memref_slice %arg2[%dma_start3A_262, %dma_start3A_263] : memref<50272x256xf32, #tpu.memory_space<hbm>> -> memref<50272x256xf32, #tpu.memory_space<hbm>>
        tpu.enqueue_indirect_dma source(%dma_start3A_264 : memref<50272x256xf32, #tpu.memory_space<hbm>>) target(%arg9 : memref<32x256xf32, #tpu.memory_space<vmem>>) offsets(%dma_start3A_261 : memref<32xi32, #tpu.memory_space<vmem>>) semaphore(%arg17 : memref<!tpu.dma_semaphore, #tpu.memory_space<semaphore_mem>>)
      } else {
      }
      %scan3A_256 = arith.constant 0 : i32
      scf.yield %scan3A_256 : i32
    }
    %scan3A_37 = arith.constant 16 : i32
    %dma_wait3A = arith.constant 0 : i32
    %dma_wait3A_38 = tpu.memref_slice %arg4[%mul3A_2, %dma_wait3A] : memref<131072x256xf32, #tpu.memory_space<hbm>> -> memref<32x256xf32, #tpu.memory_space<hbm>>
    %dma_wait3A_39 = arith.constant 0 : i32
    %dma_wait3A_40 = tpu.memref_slice %arg4[%mul3A_2, %dma_wait3A_39] : memref<131072x256xf32, #tpu.memory_space<hbm>> -> memref<32x256xf32, #tpu.memory_space<hbm>>
    tpu.wait_dma2 semaphore(%arg26 : memref<!tpu.dma_semaphore, #tpu.memory_space<semaphore_mem>>) src(%arg10 : memref<32x256xf32, #tpu.memory_space<vmem>>) dst(%dma_wait3A_40 : memref<32x256xf32, #tpu.memory_space<hbm>>)
    %dma_wait3A_41 = arith.constant 0 : i32
    %dma_wait3A_42 = tpu.memref_slice %arg4[%mul3A_2, %dma_wait3A_41] : memref<131072x256xf32, #tpu.memory_space<hbm>> -> memref<32x256xf32, #tpu.memory_space<hbm>>
    %dma_wait3A_43 = arith.constant 0 : i32
    %dma_wait3A_44 = tpu.memref_slice %arg4[%mul3A_2, %dma_wait3A_43] : memref<131072x256xf32, #tpu.memory_space<hbm>> -> memref<32x256xf32, #tpu.memory_space<hbm>>
    tpu.wait_dma2 semaphore(%arg27 : memref<!tpu.dma_semaphore, #tpu.memory_space<semaphore_mem>>) src(%arg11 : memref<32x256xf32, #tpu.memory_space<vmem>>) dst(%dma_wait3A_44 : memref<32x256xf32, #tpu.memory_space<hbm>>)
    %dma_wait3A_45 = arith.constant 0 : i32
    %dma_wait3A_46 = tpu.memref_slice %arg4[%mul3A_2, %dma_wait3A_45] : memref<131072x256xf32, #tpu.memory_space<hbm>> -> memref<32x256xf32, #tpu.memory_space<hbm>>
    %dma_wait3A_47 = arith.constant 0 : i32
    %dma_wait3A_48 = tpu.memref_slice %arg4[%mul3A_2, %dma_wait3A_47] : memref<131072x256xf32, #tpu.memory_space<hbm>> -> memref<32x256xf32, #tpu.memory_space<hbm>>
    tpu.wait_dma2 semaphore(%arg28 : memref<!tpu.dma_semaphore, #tpu.memory_space<semaphore_mem>>) src(%arg12 : memref<32x256xf32, #tpu.memory_space<vmem>>) dst(%dma_wait3A_48 : memref<32x256xf32, #tpu.memory_space<hbm>>)
    %dma_wait3A_49 = arith.constant 0 : i32
    %dma_wait3A_50 = tpu.memref_slice %arg4[%mul3A_2, %dma_wait3A_49] : memref<131072x256xf32, #tpu.memory_space<hbm>> -> memref<32x256xf32, #tpu.memory_space<hbm>>
    %dma_wait3A_51 = arith.constant 0 : i32
    %dma_wait3A_52 = tpu.memref_slice %arg4[%mul3A_2, %dma_wait3A_51] : memref<131072x256xf32, #tpu.memory_space<hbm>> -> memref<32x256xf32, #tpu.memory_space<hbm>>
    tpu.wait_dma2 semaphore(%arg29 : memref<!tpu.dma_semaphore, #tpu.memory_space<semaphore_mem>>) src(%arg13 : memref<32x256xf32, #tpu.memory_space<vmem>>) dst(%dma_wait3A_52 : memref<32x256xf32, #tpu.memory_space<hbm>>)
    return
  }
}

</mosaic_0001>

<sc_bundles>
// kernel: kernel.3.cloned.1.call-start
scs
__scs_entry_jumppad:
0x0: {  	(pc) =	sbr.rel $0x88, $3  }
0x1: {  	(tag) =	ssettag $0x0;
	lr =	simm.s32 $0x1  }
0x2: {  	[smem:$0x3F9E] =	sst lr;
	_ =	strace $0xD0000000  }
0x3: {  	_ = 	snop  }
0x4: {  	_ = 	snop  }
0x5: {  	_ = 	snop  }
0x6: {  	_ = 	snop  }
0x7: {  	_ = 	snop  }
__scs_overlays_trampoline_lowered:
0x8: {  	[smem:$0x3FAD] =	sst s0  }
0x9: {  	[smem:$0x3FAE] =	sst s1  }
0xa: {  	[smem:$0x3FAF] =	sst s2  }
0xb: {  	[smem:$0x3FB0] =	sst s3  }
0xc: {  	[smem:$0x3FB1] =	sst s4  }
0xd: {  	[smem:$0x3FB2] =	sst s5  }
0xe: {  	[smem:$0x3FB3] =	sst s6  }
0xf: {  	[smem:$0x3FB4] =	sst s7  }
0x10: {  	[smem:$0x3FB5] =	sst s8  }
0x11: {  	[smem:$0x3FB6] =	sst s9;
	s0 =	simm.s32 @!p0 $0x0  }
0x12: {  	s1 =	sld [smem:$0x3F9C];
	s0 =	simm.s32 @p0 $0x1  }
0x13: {  	[smem:$0x3FB7] =	sst s0;
	s0 =	simm.s32 @!p1 $0x0  }
0x14: {  	s2 =	sld [smem:$0x3F9B];
	s0 =	simm.s32 @p1 $0x1  }
0x15: {  	[smem:$0x3FB8] =	sst s0;
	s0 =	simm.s32 @!p2 $0x0  }
0x16: {  	s3 =	sld [smem:$0x3FDB];
	s0 =	simm.s32 @p2 $0x1  }
0x17: {  	s4 =	simm.s32 $0x1BF5;
	[smem:$0x3FBA] =	sst s0  }
0x18: {  	s0 =	sld [smem:$0x3F9D];
	_ =	swait.ge [sflag:s4], $0x0  }
0x19: {  	s7 =	sld [smem:$0x3F9E]  }
0x1a: {  	s8 =	sadd.s32 $0xFFFFE003, lr  }
0x1b: {  	s9 =	sadd.s32 $0xFFFFFEF7, lr;
	s5 =	simm.s32 $0xFFFFFFFF;
	p2 =	slt.u32 s8, $0xFFFFF086  }
0x1c: {  	p1 =	slt.u32 s9, $0xF7A;
	s5 =	simm.s32 @!p2 $0x0  }
0x1d: {  	s5 =	simm.s32 @p1 $0x1;
	p0 =	seq.s32 s7, s2  }
0x1e: {  	s7 =	smul.u32 @!p0 $0xF7A, s2;
	p2 =	seq.s32 @!p0 s5, $0x0  }
0x1f: {  	s9 =	smul.u32 $0xF7A, s1;
	s8 =	simm.s32 @!p0 $0x1BF5;
	p2 =	por !p2, p0  }
0x20: {  	[sflag:s8] =	ssyncset.s32 @!p0 $0xFFFFF086;
	s6 =	sadd.s32 @!p0 s3, s7;
	s7 =	simm.s32 @!p0 $0x108  }
0x21: {  	s3 =	sadd.s32 s3, s9;
	s6 =	sadd.s32 @!p0 $0x88, s6;
	s7 =	simm.s32 @p2 $0x1082  }
0x22: {  	[simem:s7], [sflag:s8] =	dma.local @!p0 [hbm:s6], $0xF7A  }
0x23: {  	s9 =	sor.u32 $0xD0000000, s2;
	s6 =	simm.s32 $0x108;
	_ =	swait.ge @!p0 [sflag:s8], $0x0  }
0x24: {  	s3 =	sadd.s32 $0x88, s3;
	s6 =	simm.s32 @!p1 $0x1082;
	[sflag:s4] =	ssyncset.s32 $0xFFFFF086  }
0x25: {  	[simem:s6], [sflag:s4] =	dma.local [hbm:s3], $0xF7A  }
0x26: {  	[smem:$0x3F9E] =	sst s1;
	(tag) =	ssettag s2;
	_ =	strace s9  }
0x27: {  	s1 =	sld [smem:$0x3FAE]  }
0x28: {  	s2 =	sld [smem:$0x3FAF]  }
0x29: {  	s4 =	sld [smem:$0x3FB1]  }
0x2a: {  	p0 =	seq.s32 s5, $0x0;
	s5 =	sld [smem:$0x3FB2]  }
0x2b: {  	s6 =	sld [smem:$0x3FB3]  }
0x2c: {  	s7 =	sld [smem:$0x3FB4]  }
0x2d: {  	s3 =	simm.s32 $0x108;
	s8 =	sld [smem:$0x3FB5]  }
0x2e: {  	s3 =	simm.s32 @!p0 $0x1082;
	s9 =	sld [smem:$0x3FB6]  }
0x2f: {  	lr =	sadd.s32 s0, s3;
	s0 =	sld [smem:$0x3FAD]  }
0x30: {  	s3 =	sld [smem:$0x3FB0]  }
0x31: {  	[smem:$0x3FB9] =	sst s10  }
0x32: {  	s10 =	sld [smem:$0x3FB7];
	_ =	sdelay $0x3  }
0x33: {  	p0 =	seq.s32 s10, $0x1;
	s10 =	sld [smem:$0x3FB9];
	_ =	sdelay $0x3  }
0x34: {  	[smem:$0x3FB9] =	sst s10  }
0x35: {  	s10 =	sld [smem:$0x3FB8];
	_ =	sdelay $0x3  }
0x36: {  	p1 =	seq.s32 s10, $0x1;
	s10 =	sld [smem:$0x3FB9];
	_ =	sdelay $0x3  }
0x37: {  	[smem:$0x3FB9] =	sst s10  }
0x38: {  	s10 =	sld [smem:$0x3FBA]  }
0x39: {  	_ = 	snop;
	(pc) =	sbr.ind lr, $3  }
0x3a: {  	_ = 	snop  }
0x3b: {  	_ = 	snop  }
0x3c: {  	p2 =	seq.s32 s10, $0x1;
	s10 =	sld [smem:$0x3FB9]  }
0x3d: {  	_ =	shalt  }
0x3e: {  	_ =	shalt  }
0x3f: {  	_ =	shalt  }
0x40: {  	_ =	shalt  }
0x41: {  	_ =	shalt  }
0x42: {  	_ =	shalt  }
0x43: {  	_ =	shalt  }
0x44: {  	_ =	shalt  }
0x45: {  	_ =	shalt  }
0x46: {  	_ =	shalt  }
0x47: {  	_ =	shalt  }
0x48: {  	_ =	shalt  }
0x49: {  	_ =	shalt  }
0x4a: {  	_ =	shalt  }
0x4b: {  	_ =	shalt  }
0x4c: {  	_ =	shalt  }
0x4d: {  	_ =	shalt  }
0x4e: {  	_ =	shalt  }
0x4f: {  	_ =	shalt  }
0x50: {  	_ =	shalt  }
0x51: {  	_ =	shalt  }
0x52: {  	_ =	shalt  }
0x53: {  	_ =	shalt  }
0x54: {  	_ =	shalt  }
0x55: {  	_ =	shalt  }
0x56: {  	_ =	shalt  }
0x57: {  	_ =	shalt  }
0x58: {  	_ =	shalt  }
0x59: {  	_ =	shalt  }
0x5a: {  	_ =	shalt  }
0x5b: {  	_ =	shalt  }
0x5c: {  	_ =	shalt  }
0x5d: {  	_ =	shalt  }
0x5e: {  	_ =	shalt  }
0x5f: {  	_ =	shalt  }
0x60: {  	_ =	shalt  }
0x61: {  	_ =	shalt  }
0x62: {  	_ =	shalt  }
0x63: {  	_ =	shalt  }
0x64: {  	_ =	shalt  }
0x65: {  	_ =	shalt  }
0x66: {  	_ =	shalt  }
0x67: {  	_ =	shalt  }
0x68: {  	_ =	shalt  }
0x69: {  	_ =	shalt  }
0x6a: {  	_ =	shalt  }
0x6b: {  	_ =	shalt  }
0x6c: {  	_ =	shalt  }
0x6d: {  	_ =	shalt  }
0x6e: {  	_ =	shalt  }
0x6f: {  	_ =	shalt  }
0x70: {  	_ =	shalt  }
0x71: {  	_ =	shalt  }
0x72: {  	_ =	shalt  }
0x73: {  	_ =	shalt  }
0x74: {  	_ =	shalt  }
0x75: {  	_ =	shalt  }
0x76: {  	_ =	shalt  }
0x77: {  	_ =	shalt  }
0x78: {  	_ =	shalt  }
0x79: {  	_ =	shalt  }
0x7a: {  	_ =	shalt  }
0x7b: {  	_ =	shalt  }
0x7c: {  	_ =	shalt  }
0x7d: {  	_ =	shalt  }
0x7e: {  	_ =	shalt  }
0x7f: {  	_ =	shalt  }
0x80: {  	_ =	shalt  }
0x81: {  	_ =	shalt  }
0x82: {  	_ =	shalt  }
0x83: {  	_ =	shalt  }
0x84: {  	_ =	shalt  }
0x85: {  	_ =	shalt  }
0x86: {  	_ =	shalt  }
0x87: {  	_ =	shalt  }
.Lfunc_end0:
.L_simem_size_0:
called_computation_lowered:
.L_overlay_start_0:
0x88: {  	s2 =	sld [smem:$0x3FD9]  }
0x89: {  	s3 =	sld [smem:$0x3FFE];
	_ =	sdelay $0x1  }
0x8a: {  	s1 =	srdreg.scid  }
0x8b: {  	s0 =	sand.u32 $0x1, s1  }
0x8c: {  	s14 =	sshll.u32 s0, $0xA;
	s2 =	sadd.s32 s3, s2  }
0x8d: {  	s2 =	sadd.s32 s2, s14  }
0x8e: {  	[smem:$0x3FC5] =	sst s2  }
0x8f: {  	_ = 	snop  }
0x90: {  	s2 =	sld [smem:$0x3FD0];
	_ =	sdelay $0x2  }
0x91: {  	s4 =	simm.s32 $0xA;
	s5 =	simm.s32 $0x10;
	s15 =	sld [smem:$0x3FC7]  }
0x92: {  	[smem:s5], [sflag:s4] =	dma.local [hbm:s2], $0x1  }
0x93: {  	_ =	swait.eq [sflag:s4], $0x1  }
0x94: {  	[sflag:s4] =	ssyncset.done $0x0  }
0x95: {  	[sflag:s4] =	ssyncadd.s32 $0xFFFFFFFF  }
0x96: {  	s16 =	sld [smem:$0x10];
	(tm) =	ssettm $0x1  }
0x97: {  	s17 =	sld [smem:$0x3FFB];
	_ =	sdelay $0x3  }
0x98: {  	_ =	strace s17  }
0x99: {  	s4 =	sld [smem:$0x3FFC];
	_ =	sdelay $0x3  }
0x9a: {  	_ =	strace s4  }
0x9b: {  	s4 =	sld [smem:$0x3FFD];
	_ =	sdelay $0x3  }
0x9c: {  	_ =	strace s4  }
0x9d: {  	_ =	strace $0x8FFFFFFF  }
0x9e: {  	s18 =	sld [smem:$0x3FDB];
	_ =	sdelay $0x1  }
0x9f: {  	s19 =	simm.s32 $_scs_section_size  }
0xa0: {  	s6 =	simm.s32 $_size__tile_overlayer_lowered;
	s7 =	simm.s32 $_tile_overlayer_lowered  }
0xa1: {  	s22 =	simm.s32 $0x1BFF;
	s21 =	sshll.u32 s7, $0x1;
	s4 =	sadd.s32 s19, s18  }
0xa2: {  	s8 =	simm.s32 $0x0;
	s20 =	sshll.u32 s6, $0x1;
	s6 =	sadd.s32 s21, s4  }
0xa3: {  	[timem:s8], [sflag:s22] =	dma.local [hbm:s6], s20  }
0xa4: {  	_ =	swait.ge [sflag:s22], s20  }
0xa5: {  	s5 =	ssub.s32 $0x0, s20;
	[sflag:s22] =	ssyncset.done $0x0  }
0xa6: {  	[sflag:s22] =	ssyncadd.s32 s5;
	_ =	sdelay $0x1  }
0xa7: {  	s23 =	simm.s32 $0x1B8B  }
0xa8: {  	_ =	swait.ge [sflag:s23], $0x1  }
0xa9: {  	[sflag:s23] =	ssyncset.done $0x0  }
0xaa: {  	s25 =	simm.s32 $0x1B8E;
	s24 =	sld [smem:$0x3FFE];
	[sflag:s23] =	ssyncadd.s32 $0xFFFFFFFF  }
0xab: {  	s26 =	simm.s32 $execute0_lowered;
	[smem:$0x3FD2] =	sst s25  }
0xac: {  	s6 =	sshll.u32 s26, $0x1;
	_ =	strace $0x80000046;
	[dreg:$0x1] =	wrdreg $0xFFFFFFFF  }
0xad: {  	s28 =	simm.s32 $_size_execute0_lowered;
	s4 =	sadd.s32 s4, s6;
	[dreg:$0x0] =	wrdreg $0x0  }
0xae: {  	s6 =	sshll.u32 s28, $0x1;
	[dreg:$0x2] =	wrdreg s4  }
0xaf: {  	[dreg:$0x3] =	wrdreg s6  }
0xb0: {  	[dreg:$0x4] =	wrdreg $0xC0  }
0xb1: {  	_ =	task [dreg:s8], $0x5FFFF  }
0xb2: {  	[dreg:$0x1] =	wrdreg $0xFFFFFFFF  }
0xb3: {  	[dreg:$0x0] =	wrdreg $0x60  }
0xb4: {  	[dreg:$0x2] =	wrdreg s15  }
0xb5: {  	[dreg:$0x3] =	wrdreg s24  }
0xb6: {  	[dreg:$0x4] =	wrdreg s16  }
0xb7: {  	[dreg:$0x5] =	wrdreg $0x9  }
0xb8: {  	_ =	task.clear_ibuf [dreg:s8], $0x6FFFF;
	_ =	strace $0x90000046  }
0xb9: {  	s29 =	simm.s32 $0x9;
	_ =	strace $0x80000048  }
0xba: {  	_ =	swait.ge [sflag:s29], $0x1  }
0xbb: {  	[sflag:s29] =	ssyncadd.s32 $0xFFFFFFFF  }
0xbc: {  	_ =	strace $0x90000048  }
0xbd: {  	_ =	sfence  }
0xbe: {  	s30 =	sld [smem:$0x0];
	_ =	sdelay $0x2  }
0xbf: {  	s31 =	sshll.u32 s1, $0xD;
	s1 =	sshrl.u32 s1, $0x2  }
0xc0: {  	s3 =	sand.u32 $0x4000, s31;
	s1 =	sadd.s32 s1, s30  }
0xc1: {  	s0 =	sor.u32 s3, s0;
	s1 =	sshll.u32 s1, $0x11  }
0xc2: {  	s0 =	sor.u32 s1, s0  }
0xc3: {  	s0 =	sadd.s32 $0x8F2B, s0  }
0xc4: {  	[sflag:s0] =	ssyncadd.remote.s32 $0x1  }
0xc5: {  	_ =	sfence.sel $0xFFFF  }
0xc6: {  	[dreg:$0x0] =	wrdreg $0xFFFFFFFF;
	(pc) =	sbr.abs _section_cstart, $3  }
0xc7: {  	[dreg:$0x1] =	wrdreg $0xFFFFFFFF  }
0xc8: {  	_ =	task.clear_ibuf [dreg:s8], $0x2FFFF;
	_ =	strace $0x9FFFFFFF  }
0xc9: {  	(tm) =	ssettm $0x7FFFFFFF  }
tec
execute0_lowered:
.L_overlay_start_1:
0x0: {  	(tag) =	ssettag $0x1  }
0x1: {  	s1 =	rddreg [dreg:$0x0]  }
0x2: {  	s0 =	rddreg [dreg:$0x1]  }
0x3: {  	s2 =	rddreg [dreg:$0x2]  }
0x4: {  	s3 =	srdreg.scid;
	s7 =	stileid.u32;
	s20 =	simm.s32 $0xA000  }
0x5: {  	s30 =	simm.s32 $0x2;
	s31 =	simm.s32 $0xE000;
	s10 =	simm.s32 $0x3  }
0x6: {  	s11 =	simm.s32 $0x10000;
	s14 =	simm.s32 $0x11000;
	s15 =	simm.s32 $0x11800  }
0x7: {  	s17 =	simm.s32 $0x4;
	s18 =	simm.s32 $0x12000;
	s19 =	simm.s32 $0x12800  }
0x8: {  	s21 =	simm.s32 $0x9;
	s22 =	simm.s32 $0x6;
	s8 =	simm.s32 $0xA  }
0x9: {  	s23 =	simm.s32 $0x7;
	s12 =	simm.s32 $0xB;
	s28 =	simm.s32 $0xC  }
0xa: {  	s9 =	simm.s32 $0x0;
	s4 =	sand.u32 $0x1, s3;
	s3 =	simm.s32 $0x0  }
0xb: {  	s5 =	sshll.u32 s7, $0xC;
	s26 =	sshll.u32 s7, $0x12;
	s7 =	simm.s32 $0x5  }
0xc: {  	s6 =	sshll.u32 s4, $0xB;
	[smem:$0x7FF] =	sst s3;
	s24 =	ssub.s32 $0x2, s4  }
0xd: {  	s29 =	sshll.u32 s4, $0x11;
	s4 =	simm.s32 $0x13000;
	s5 =	sor.u32 s6, s5  }
.Ltmp0:
0xe: {  	s25 =	sshrl.u32 s24, $0x1;
	s0 =	sadd.s32 s5, s0;
	(pc) =	sbr.rel .LBB2_1-.Ltmp0, $4  }
0xf: {  	_ =	strace $0x80000047;
	s5 =	ssub.s32 s24, s25;
	s0 =	sadd.s32 $0x800, s0  }
0x10: {  	v2 =	vlaneseq.u32;
	s24 =	simm.s32 $0x1;
	s5 =	smax.u32 s5, $0x1;
	[dreg:$0x4] =	wrdreg s0  }
0x11: {  	vm0 =	vmmov $0xffff;
	v1 =	vshrl.u32 v2, $0x3;
	s25 =	simm.s32 $0xC000;
	[dreg:$0x5] =	wrdreg s5;
	s0 =	sadd.s32 s26, s2  }
0x12: {  	v0 =	vand.u32 $0x7, v2;
	v2 =	vor.u32 $0x8, v2;
	v1 =	vmul.u32 $0x8, v1;
	s5 =	simm.s32 $0x13800;
	s26 =	simm.s32 $0x8;
	s6 =	sadd.s32 s29, s0  }
.LBB2_4:
0x13: {  	s0 =	simm.s32 $0xD  }
0x14: {  	_ =	swait.ge [sflag:s0], $0x2000  }
0x15: {  	[sflag:s0] =	ssyncset.done $0x0  }
0x16: {  	s13 =	simm.s32 $0xE;
	[sflag:s0] =	ssyncadd.s32 $0xFFFFE000  }
0x17: {  	_ =	swait.ge [sflag:s13], $0x2000  }
0x18: {  	[sflag:s13] =	ssyncset.done $0x0  }
0x19: {  	s16 =	simm.s32 $0xF;
	[sflag:s13] =	ssyncadd.s32 $0xFFFFE000  }
0x1a: {  	_ =	swait.ge [sflag:s16], $0x2000  }
0x1b: {  	[sflag:s16] =	ssyncset.done $0x0  }
0x1c: {  	s2 =	simm.s32 $0x10;
	[sflag:s16] =	ssyncadd.s32 $0xFFFFE000  }
0x1d: {  	_ =	swait.ge [sflag:s2], $0x2000  }
0x1e: {  	s9 =	rddreg [dreg:$0x6]  }
0x1f: {  	s29 =	rddreg [dreg:$0x5];
	s9 =	sadd.s32 $0x1, s9  }
0x20: {  	p0 =	sne.s32 s9, s29  }
.Ltmp1:
0x21: {  	_ = 	snop;
	(pc) =	sbr.rel @!p0 .LBB2_5-.Ltmp1, $3  }
0x22: {  	_ =	sdelay $0x1  }
0x23: {  	[sflag:s2] =	ssyncset.done $0x0  }
0x24: {  	[sflag:s2] =	ssyncadd.s32 $0xFFFFE000  }
.LBB2_1:
0x25: {  	[dreg:$0x6] =	wrdreg s9  }
0x26: {  	s0 =	rddreg [dreg:$0x4];
	s29 =	simm.s32 $0x11  }
0x27: {  	[tilespmem:s3], [sflag:$0x11] =	stream.linear.gather [hbm4b:s0+s3], $0x4000, $0x38;
	[tilespmem:$0x14000] =	vst v63  }
0x28: {  	_ =	swait.ge [sflag:s29], $0x4000  }
0x29: {  	[sflag:s29] =	ssyncset.done $0x0  }
0x2a: {  	[sflag:s29] =	ssyncadd.s32 $0xFFFFC000  }
0x2b: {  	v3 =	vld [tilespmem:$0x0];
	_ =	sdelay $0x4  }
0x2c: {  	v4 =	vshll.u32 v3, $0x1  }
0x2d: {  	v3 =	vand.u32 $0x7, v3;
	v4 =	vand.u32 $0xFFFFFFF0, v4  }
0x2e: {  	v3 =	vor.u32 v3, v4  }
0x2f: {  	v4 =	vperm.xlane v3, v0;
	_ =	sdelay $0x1  }
0x30: {  	v3 =	vperm.xlane v3, v2;
	v4 =	vadd.s32 v1, v4;
	_ =	sdelay $0x1  }
0x31: {  	v3 =	vadd.s32 v1, v3;
	_ =	sdelay $0x1  }
0x32: {  	s2 =	simm.s32 $0x4000  }
0x33: {  	[tilespmem:s2], [sflag:$0x1] =	stream.indirect_vreg.gather [hbm4b:s1+s3], $0x80, v4, vm0, $0xb8;
	[tilespmem:$0x14000] =	vst v63  }
0x34: {  	s9 =	simm.s32 $0x4800  }
0x35: {  	[tilespmem:s9], [sflag:$0x1] =	stream.indirect_vreg.gather [hbm4b:s1+s3], $0x80, v3, vm0, $0xb8;
	[tilespmem:$0x14000] =	vst v63  }
0x36: {  	v3 =	vld [tilespmem:$0x10];
	_ =	sdelay $0x4  }
0x37: {  	v57 =	vshll.u32 v3, $0x1  }
0x38: {  	v3 =	vand.u32 $0x7, v3;
	v4 =	vand.u32 $0xFFFFFFF0, v57  }
0x39: {  	v3 =	vor.u32 v3, v4  }
0x3a: {  	v4 =	vperm.xlane v3, v0;
	_ =	sdelay $0x1  }
0x3b: {  	v3 =	vperm.xlane v3, v2;
	v4 =	vadd.s32 v1, v4;
	_ =	sdelay $0x1  }
0x3c: {  	v3 =	vadd.s32 v1, v3;
	_ =	sdelay $0x1  }
0x3d: {  	s13 =	simm.s32 $0x5000  }
0x3e: {  	[tilespmem:s13], [sflag:$0x1] =	stream.indirect_vreg.gather [hbm4b:s1+s3], $0x80, v4, vm0, $0xb8;
	[tilespmem:$0x14000] =	vst v63  }
0x3f: {  	s16 =	simm.s32 $0x5800  }
0x40: {  	[tilespmem:s16], [sflag:$0x1] =	stream.indirect_vreg.gather [hbm4b:s1+s3], $0x80, v3, vm0, $0xb8;
	[tilespmem:$0x14000] =	vst v63  }
0x41: {  	v3 =	vld [tilespmem:$0x80];
	_ =	sdelay $0x4  }
0x42: {  	v58 =	vshll.u32 v3, $0x1  }
0x43: {  	v3 =	vand.u32 $0x7, v3;
	v4 =	vand.u32 $0xFFFFFFF0, v58  }
0x44: {  	v3 =	vor.u32 v3, v4  }
0x45: {  	v4 =	vperm.xlane v3, v0;
	_ =	sdelay $0x1  }
0x46: {  	v3 =	vperm.xlane v3, v2;
	v4 =	vadd.s32 v1, v4;
	_ =	sdelay $0x1  }
0x47: {  	v3 =	vadd.s32 v1, v3;
	_ =	sdelay $0x1  }
0x48: {  	s29 =	simm.s32 $0x6000  }
0x49: {  	[tilespmem:s29], [sflag:$0x2] =	stream.indirect_vreg.gather [hbm4b:s1+s3], $0x80, v4, vm0, $0xb8;
	[tilespmem:$0x14000] =	vst v63  }
0x4a: {  	s2 =	simm.s32 $0x6800  }
0x4b: {  	[tilespmem:s2], [sflag:$0x2] =	stream.indirect_vreg.gather [hbm4b:s1+s3], $0x80, v3, vm0, $0xb8;
	[tilespmem:$0x14000] =	vst v63  }
0x4c: {  	v3 =	vld [tilespmem:$0x90];
	_ =	sdelay $0x4  }
0x4d: {  	v59 =	vshll.u32 v3, $0x1  }
0x4e: {  	v3 =	vand.u32 $0x7, v3;
	v4 =	vand.u32 $0xFFFFFFF0, v59  }
0x4f: {  	v3 =	vor.u32 v3, v4  }
0x50: {  	v4 =	vperm.xlane v3, v0;
	_ =	sdelay $0x1  }
0x51: {  	v3 =	vperm.xlane v3, v2;
	v4 =	vadd.s32 v1, v4;
	_ =	sdelay $0x1  }
0x52: {  	v3 =	vadd.s32 v1, v3;
	_ =	sdelay $0x1  }
0x53: {  	s9 =	simm.s32 $0x7000  }
0x54: {  	[tilespmem:s9], [sflag:$0x2] =	stream.indirect_vreg.gather [hbm4b:s1+s3], $0x80, v4, vm0, $0xb8;
	[tilespmem:$0x14000] =	vst v63  }
0x55: {  	s13 =	simm.s32 $0x7800  }
0x56: {  	[tilespmem:s13], [sflag:$0x2] =	stream.indirect_vreg.gather [hbm4b:s1+s3], $0x80, v3, vm0, $0xb8;
	[tilespmem:$0x14000] =	vst v63  }
0x57: {  	v3 =	vld [tilespmem:$0x100];
	_ =	sdelay $0x4  }
0x58: {  	v60 =	vshll.u32 v3, $0x1  }
0x59: {  	v3 =	vand.u32 $0x7, v3;
	v4 =	vand.u32 $0xFFFFFFF0, v60  }
0x5a: {  	v3 =	vor.u32 v3, v4  }
0x5b: {  	v4 =	vperm.xlane v3, v0;
	_ =	sdelay $0x1  }
0x5c: {  	v3 =	vperm.xlane v3, v2;
	v4 =	vadd.s32 v1, v4;
	_ =	sdelay $0x1  }
0x5d: {  	v3 =	vadd.s32 v1, v3;
	_ =	sdelay $0x1  }
0x5e: {  	s16 =	simm.s32 $0x8000  }
0x5f: {  	[tilespmem:s16], [sflag:$0x3] =	stream.indirect_vreg.gather [hbm4b:s1+s3], $0x80, v4, vm0, $0xb8;
	[tilespmem:$0x14000] =	vst v63  }
0x60: {  	s29 =	simm.s32 $0x8800  }
0x61: {  	[tilespmem:s29], [sflag:$0x3] =	stream.indirect_vreg.gather [hbm4b:s1+s3], $0x80, v3, vm0, $0xb8;
	[tilespmem:$0x14000] =	vst v63  }
0x62: {  	v3 =	vld [tilespmem:$0x110];
	_ =	sdelay $0x4  }
0x63: {  	v61 =	vshll.u32 v3, $0x1  }
0x64: {  	v3 =	vand.u32 $0x7, v3;
	v4 =	vand.u32 $0xFFFFFFF0, v61  }
0x65: {  	v3 =	vor.u32 v3, v4  }
0x66: {  	v4 =	vperm.xlane v3, v0;
	_ =	sdelay $0x1  }
0x67: {  	v3 =	vperm.xlane v3, v2;
	v4 =	vadd.s32 v1, v4;
	_ =	sdelay $0x1  }
0x68: {  	v3 =	vadd.s32 v1, v3;
	_ =	sdelay $0x1  }
0x69: {  	s2 =	simm.s32 $0x9000  }
0x6a: {  	[tilespmem:s2], [sflag:$0x3] =	stream.indirect_vreg.gather [hbm4b:s1+s3], $0x80, v4, vm0, $0xb8;
	[tilespmem:$0x14000] =	vst v63  }
0x6b: {  	s9 =	simm.s32 $0x9800  }
0x6c: {  	[tilespmem:s9], [sflag:$0x3] =	stream.indirect_vreg.gather [hbm4b:s1+s3], $0x80, v3, vm0, $0xb8;
	[tilespmem:$0x14000] =	vst v63  }
0x6d: {  	v3 =	vld [tilespmem:$0x180];
	_ =	sdelay $0x4  }
0x6e: {  	v62 =	vshll.u32 v3, $0x1  }
0x6f: {  	v3 =	vand.u32 $0x7, v3;
	v4 =	vand.u32 $0xFFFFFFF0, v62  }
0x70: {  	v3 =	vor.u32 v3, v4  }
0x71: {  	v4 =	vperm.xlane v3, v0;
	_ =	sdelay $0x1  }
0x72: {  	v3 =	vperm.xlane v3, v2;
	v4 =	vadd.s32 v1, v4;
	_ =	sdelay $0x1  }
0x73: {  	v3 =	vadd.s32 v1, v3;
	_ =	sdelay $0x2  }
0x74: {  	[tilespmem:s20], [sflag:$0x4] =	stream.indirect_vreg.gather [hbm4b:s1+s3], $0x80, v4, vm0, $0xb8;
	[tilespmem:$0x14000] =	vst v63  }
0x75: {  	s13 =	simm.s32 $0xA800  }
0x76: {  	[tilespmem:s13], [sflag:$0x4] =	stream.indirect_vreg.gather [hbm4b:s1+s3], $0x80, v3, vm0, $0xb8;
	[tilespmem:$0x14000] =	vst v63  }
0x77: {  	v3 =	vld [tilespmem:$0x190];
	_ =	sdelay $0x4  }
0x78: {  	v63 =	vshll.u32 v3, $0x1  }
0x79: {  	v3 =	vand.u32 $0x7, v3;
	v4 =	vand.u32 $0xFFFFFFF0, v63  }
0x7a: {  	v3 =	vor.u32 v3, v4  }
0x7b: {  	v4 =	vperm.xlane v3, v0;
	_ =	sdelay $0x1  }
0x7c: {  	v3 =	vperm.xlane v3, v2;
	v4 =	vadd.s32 v1, v4;
	_ =	sdelay $0x1  }
0x7d: {  	v3 =	vadd.s32 v1, v3;
	_ =	sdelay $0x1  }
0x7e: {  	s16 =	simm.s32 $0xB000  }
0x7f: {  	[tilespmem:s16], [sflag:$0x4] =	stream.indirect_vreg.gather [hbm4b:s1+s3], $0x80, v4, vm0, $0xb8;
	[tilespmem:$0x14000] =	vst v63  }
0x80: {  	s29 =	simm.s32 $0xB800;
	s2 =	simm.s32 $0x0;
	s16 =	simm.s32 $0x0  }
0x81: {  	[tilespmem:s29], [sflag:$0x4] =	stream.indirect_vreg.gather [hbm4b:s1+s3], $0x80, v3, vm0, $0xb8;
	[tilespmem:$0x14000] =	vst v63  }
.LBB2_2:
0x82: {  	_ =	swait.ge [sflag:s24], $0x2000  }
0x83: {  	s0 =	sadd.s32 s16, s6;
	[sflag:s24] =	ssyncset.done $0x0  }
0x84: {  	s9 =	simm.s32 $0x4000;
	p0 =	seq.s32 s16, $0x0;
	[sflag:s24] =	ssyncadd.s32 $0xFFFFE000  }
0x85: {  	[hbm4b:s0+s3] =	stream.linear.scatter [tilespmem:s9], [sflag:$0x9], $0x2000, $0x38;
	[tilespmem:$0x14000] =	vst v63  }
0x86: {  	s9 =	simm.s32 @!p0 $0xD  }
0x87: {  	_ =	swait.ge @!p0 [sflag:s9], $0x2000  }
0x88: {  	s29 =	smov.u32 s2;
	[sflag:s9] =	ssyncset.done @!p0 $0x0  }
0x89: {  	s29 =	simm.s32 @p0 $0x0;
	[sflag:s9] =	ssyncadd.s32 @!p0 $0xFFFFE000  }
0x8a: {  	v3 =	vld [tilespmem:s29+$0x200];
	_ =	sdelay $0x4  }
0x8b: {  	v4 =	vshll.u32 v3, $0x1  }
0x8c: {  	v3 =	vand.u32 $0x7, v3;
	v4 =	vand.u32 $0xFFFFFFF0, v4  }
0x8d: {  	v3 =	vor.u32 v3, v4  }
0x8e: {  	v4 =	vperm.xlane v3, v0;
	_ =	sdelay $0x1  }
0x8f: {  	v3 =	vperm.xlane v3, v2;
	v4 =	vadd.s32 v1, v4;
	_ =	sdelay $0x1  }
0x90: {  	v3 =	vadd.s32 v1, v3;
	_ =	sdelay $0x2  }
0x91: {  	[tilespmem:s25], [sflag:$0x5] =	stream.indirect_vreg.gather [hbm4b:s1+s3], $0x80, v4, vm0, $0xb8;
	[tilespmem:$0x14000] =	vst v63  }
0x92: {  	s13 =	simm.s32 $0xC800  }
0x93: {  	[tilespmem:s13], [sflag:$0x5] =	stream.indirect_vreg.gather [hbm4b:s1+s3], $0x80, v3, vm0, $0xb8;
	[tilespmem:$0x14000] =	vst v63  }
0x94: {  	v3 =	vld [tilespmem:s29+$0x210];
	_ =	sdelay $0x4  }
0x95: {  	v57 =	vshll.u32 v3, $0x1  }
0x96: {  	v3 =	vand.u32 $0x7, v3;
	v4 =	vand.u32 $0xFFFFFFF0, v57  }
0x97: {  	v3 =	vor.u32 v3, v4  }
0x98: {  	v4 =	vperm.xlane v3, v0;
	_ =	sdelay $0x1  }
0x99: {  	v3 =	vperm.xlane v3, v2;
	v4 =	vadd.s32 v1, v4;
	_ =	sdelay $0x1  }
0x9a: {  	v3 =	vadd.s32 v1, v3;
	_ =	sdelay $0x1  }
0x9b: {  	s13 =	simm.s32 $0xD000  }
0x9c: {  	[tilespmem:s13], [sflag:$0x5] =	stream.indirect_vreg.gather [hbm4b:s1+s3], $0x80, v4, vm0, $0xb8;
	[tilespmem:$0x14000] =	vst v63  }
0x9d: {  	s13 =	simm.s32 $0xD800  }
0x9e: {  	[tilespmem:s13], [sflag:$0x5] =	stream.indirect_vreg.gather [hbm4b:s1+s3], $0x80, v3, vm0, $0xb8;
	[tilespmem:$0x14000] =	vst v63  }
0x9f: {  	_ =	swait.ge [sflag:s30], $0x2000  }
0xa0: {  	[sflag:s30] =	ssyncset.done $0x0  }
0xa1: {  	s9 =	sadd.s32 $0x400, s0;
	s13 =	simm.s32 $0x6000;
	[sflag:s30] =	ssyncadd.s32 $0xFFFFE000  }
0xa2: {  	[hbm4b:s9+s3] =	stream.linear.scatter [tilespmem:s13], [sflag:$0xA], $0x2000, $0x38;
	[tilespmem:$0x14000] =	vst v63  }
0xa3: {  	s9 =	simm.s32 @!p0 $0xE  }
0xa4: {  	_ =	swait.ge @!p0 [sflag:s9], $0x2000  }
0xa5: {  	[sflag:s9] =	ssyncset.done @!p0 $0x0  }
0xa6: {  	[sflag:s9] =	ssyncadd.s32 @!p0 $0xFFFFE000  }
0xa7: {  	v3 =	vld [tilespmem:s29+$0x280];
	_ =	sdelay $0x4  }
0xa8: {  	v58 =	vshll.u32 v3, $0x1  }
0xa9: {  	v3 =	vand.u32 $0x7, v3;
	v4 =	vand.u32 $0xFFFFFFF0, v58  }
0xaa: {  	v3 =	vor.u32 v3, v4  }
0xab: {  	v4 =	vperm.xlane v3, v0;
	_ =	sdelay $0x1  }
0xac: {  	v3 =	vperm.xlane v3, v2;
	v4 =	vadd.s32 v1, v4;
	_ =	sdelay $0x1  }
0xad: {  	v3 =	vadd.s32 v1, v3;
	_ =	sdelay $0x2  }
0xae: {  	[tilespmem:s31], [sflag:$0x6] =	stream.indirect_vreg.gather [hbm4b:s1+s3], $0x80, v4, vm0, $0xb8;
	[tilespmem:$0x14000] =	vst v63  }
0xaf: {  	s13 =	simm.s32 $0xE800  }
0xb0: {  	[tilespmem:s13], [sflag:$0x6] =	stream.indirect_vreg.gather [hbm4b:s1+s3], $0x80, v3, vm0, $0xb8;
	[tilespmem:$0x14000] =	vst v63  }
0xb1: {  	v3 =	vld [tilespmem:s29+$0x290];
	_ =	sdelay $0x4  }
0xb2: {  	v59 =	vshll.u32 v3, $0x1  }
0xb3: {  	v3 =	vand.u32 $0x7, v3;
	v4 =	vand.u32 $0xFFFFFFF0, v59  }
0xb4: {  	v3 =	vor.u32 v3, v4  }
0xb5: {  	v4 =	vperm.xlane v3, v0;
	_ =	sdelay $0x1  }
0xb6: {  	v3 =	vperm.xlane v3, v2;
	v4 =	vadd.s32 v1, v4;
	_ =	sdelay $0x1  }
0xb7: {  	v3 =	vadd.s32 v1, v3;
	_ =	sdelay $0x1  }
0xb8: {  	s13 =	simm.s32 $0xF000  }
0xb9: {  	[tilespmem:s13], [sflag:$0x6] =	stream.indirect_vreg.gather [hbm4b:s1+s3], $0x80, v4, vm0, $0xb8;
	[tilespmem:$0x14000] =	vst v63  }
0xba: {  	s13 =	simm.s32 $0xF800  }
0xbb: {  	[tilespmem:s13], [sflag:$0x6] =	stream.indirect_vreg.gather [hbm4b:s1+s3], $0x80, v3, vm0, $0xb8;
	[tilespmem:$0x14000] =	vst v63  }
0xbc: {  	_ =	swait.ge [sflag:s10], $0x2000  }
0xbd: {  	[sflag:s10] =	ssyncset.done $0x0  }
0xbe: {  	s9 =	sadd.s32 $0x800, s0;
	s13 =	simm.s32 $0x8000;
	[sflag:s10] =	ssyncadd.s32 $0xFFFFE000  }
0xbf: {  	[hbm4b:s9+s3] =	stream.linear.scatter [tilespmem:s13], [sflag:$0xB], $0x2000, $0x38;
	[tilespmem:$0x14000] =	vst v63  }
0xc0: {  	s9 =	simm.s32 @!p0 $0xF  }
0xc1: {  	_ =	swait.ge @!p0 [sflag:s9], $0x2000  }
0xc2: {  	[sflag:s9] =	ssyncset.done @!p0 $0x0  }
0xc3: {  	[sflag:s9] =	ssyncadd.s32 @!p0 $0xFFFFE000  }
0xc4: {  	v3 =	vld [tilespmem:s29+$0x300];
	_ =	sdelay $0x4  }
0xc5: {  	v60 =	vshll.u32 v3, $0x1  }
0xc6: {  	v3 =	vand.u32 $0x7, v3;
	v4 =	vand.u32 $0xFFFFFFF0, v60  }
0xc7: {  	v3 =	vor.u32 v3, v4  }
0xc8: {  	v4 =	vperm.xlane v3, v0;
	_ =	sdelay $0x1  }
0xc9: {  	v3 =	vperm.xlane v3, v2;
	v4 =	vadd.s32 v1, v4;
	_ =	sdelay $0x1  }
0xca: {  	v3 =	vadd.s32 v1, v3;
	_ =	sdelay $0x2  }
0xcb: {  	[tilespmem:s11], [sflag:$0x7] =	stream.indirect_vreg.gather [hbm4b:s1+s3], $0x80, v4, vm0, $0xb8;
	[tilespmem:$0x14000] =	vst v63  }
0xcc: {  	s13 =	simm.s32 $0x10800  }
0xcd: {  	[tilespmem:s13], [sflag:$0x7] =	stream.indirect_vreg.gather [hbm4b:s1+s3], $0x80, v3, vm0, $0xb8;
	[tilespmem:$0x14000] =	vst v63  }
0xce: {  	v3 =	vld [tilespmem:s29+$0x310];
	_ =	sdelay $0x4  }
0xcf: {  	v61 =	vshll.u32 v3, $0x1  }
0xd0: {  	v3 =	vand.u32 $0x7, v3;
	v4 =	vand.u32 $0xFFFFFFF0, v61  }
0xd1: {  	v3 =	vor.u32 v3, v4  }
0xd2: {  	v4 =	vperm.xlane v3, v0;
	_ =	sdelay $0x1  }
0xd3: {  	v3 =	vperm.xlane v3, v2;
	v4 =	vadd.s32 v1, v4;
	_ =	sdelay $0x1  }
0xd4: {  	v3 =	vadd.s32 v1, v3;
	_ =	sdelay $0x2  }
0xd5: {  	[tilespmem:s14], [sflag:$0x7] =	stream.indirect_vreg.gather [hbm4b:s1+s3], $0x80, v4, vm0, $0xb8;
	[tilespmem:$0x14000] =	vst v63  }
0xd6: {  	_ = 	snop  }
0xd7: {  	[tilespmem:s15], [sflag:$0x7] =	stream.indirect_vreg.gather [hbm4b:s1+s3], $0x80, v3, vm0, $0xb8;
	[tilespmem:$0x14000] =	vst v63  }
0xd8: {  	_ =	swait.ge [sflag:s17], $0x2000  }
0xd9: {  	[sflag:s17] =	ssyncset.done $0x0  }
0xda: {  	s9 =	simm.s32 @!p0 $0x10;
	s13 =	sadd.s32 $0xC00, s0;
	[sflag:s17] =	ssyncadd.s32 $0xFFFFE000  }
0xdb: {  	[hbm4b:s13+s3] =	stream.linear.scatter [tilespmem:s20], [sflag:$0xC], $0x2000, $0x38;
	[tilespmem:$0x14000] =	vst v63  }
0xdc: {  	_ =	swait.ge @!p0 [sflag:s9], $0x2000  }
0xdd: {  	[sflag:s9] =	ssyncset.done @!p0 $0x0  }
0xde: {  	[sflag:s9] =	ssyncadd.s32 @!p0 $0xFFFFE000  }
0xdf: {  	v3 =	vld [tilespmem:s29+$0x380];
	_ =	sdelay $0x4  }
0xe0: {  	v62 =	vshll.u32 v3, $0x1  }
0xe1: {  	v3 =	vand.u32 $0x7, v3;
	v4 =	vand.u32 $0xFFFFFFF0, v62  }
0xe2: {  	v3 =	vor.u32 v3, v4  }
0xe3: {  	v4 =	vperm.xlane v3, v0;
	_ =	sdelay $0x1  }
0xe4: {  	v3 =	vperm.xlane v3, v2;
	v4 =	vadd.s32 v1, v4;
	_ =	sdelay $0x1  }
0xe5: {  	v3 =	vadd.s32 v1, v3;
	_ =	sdelay $0x2  }
0xe6: {  	[tilespmem:s18], [sflag:$0x8] =	stream.indirect_vreg.gather [hbm4b:s1+s3], $0x80, v4, vm0, $0xb8;
	[tilespmem:$0x14000] =	vst v63  }
0xe7: {  	_ = 	snop  }
0xe8: {  	[tilespmem:s19], [sflag:$0x8] =	stream.indirect_vreg.gather [hbm4b:s1+s3], $0x80, v3, vm0, $0xb8;
	[tilespmem:$0x14000] =	vst v63  }
0xe9: {  	v3 =	vld [tilespmem:s29+$0x390];
	_ =	sdelay $0x4  }
0xea: {  	v63 =	vshll.u32 v3, $0x1  }
0xeb: {  	v3 =	vand.u32 $0x7, v3;
	v4 =	vand.u32 $0xFFFFFFF0, v63  }
0xec: {  	v3 =	vor.u32 v3, v4  }
0xed: {  	v4 =	vperm.xlane v3, v0;
	_ =	sdelay $0x1  }
0xee: {  	v3 =	vperm.xlane v3, v2;
	v4 =	vadd.s32 v1, v4;
	_ =	sdelay $0x1  }
0xef: {  	v3 =	vadd.s32 v1, v3;
	_ =	sdelay $0x2  }
0xf0: {  	[tilespmem:s4], [sflag:$0x8] =	stream.indirect_vreg.gather [hbm4b:s1+s3], $0x80, v4, vm0, $0xb8;
	[tilespmem:$0x14000] =	vst v63  }
0xf1: {  	_ = 	snop  }
0xf2: {  	[tilespmem:s5], [sflag:$0x8] =	stream.indirect_vreg.gather [hbm4b:s1+s3], $0x80, v3, vm0, $0xb8;
	[tilespmem:$0x14000] =	vst v63  }
0xf3: {  	_ =	swait.ge [sflag:s7], $0x2000  }
0xf4: {  	[sflag:s7] =	ssyncset.done $0x0  }
0xf5: {  	s29 =	sadd.s32 $0x1000, s0;
	[sflag:s7] =	ssyncadd.s32 $0xFFFFE000  }
0xf6: {  	[hbm4b:s29+s3] =	stream.linear.scatter [tilespmem:s25], [sflag:$0xD], $0x2000, $0x38;
	[tilespmem:$0x14000] =	vst v63  }
0xf7: {  	_ =	swait.ge [sflag:s21], $0x2000  }
0xf8: {  	[sflag:s21] =	ssyncset.done $0x0  }
0xf9: {  	p0 =	seq.s32 s16, $0x1E000;
	[sflag:s21] =	ssyncadd.s32 $0xFFFFE000  }
0xfa: {  	v3 =	vld @!p0 [tilespmem:s2+$0x400];
	_ =	sdelay $0x4  }
0xfb: {  	v4 =	vshll.u32 @!p0 v3, $0x1  }
0xfc: {  	v5 =	vlaneseq.u32 @!p0;
	v3 =	vand.u32 @!p0 $0x7, v3;
	v4 =	vand.u32 @!p0 $0xFFFFFFF0, v4  }
0xfd: {  	v6 =	vshrl.u32 @!p0 v5, $0x3;
	v3 =	vor.u32 @!p0 v3, v4;
	v4 =	vand.u32 @!p0 $0x7, v5  }
0xfe: {  	v6 =	vmul.u32 @!p0 $0x8, v6;
	v7 =	vperm.xlane @!p0 v3, v4  }
0xff: {  	v5 =	vor.u32 @!p0 $0x8, v5  }
0x100: {  	v3 =	vperm.xlane @!p0 v3, v5;
	v7 =	vadd.s32 @!p0 v6, v7;
	_ =	sdelay $0x1  }
0x101: {  	v3 =	vadd.s32 @!p0 v6, v3;
	_ =	sdelay $0x1  }
0x102: {  	vm1 =	vmmov @!p0 $0xffff;
	s9 =	simm.s32 @!p0 $0x4000;
	s29 =	simm.s32 @!p0 $0x0  }
0x103: {  	[tilespmem:s9], [sflag:$0x1] =	stream.indirect_vreg.gather @!p0 [hbm4b:s1+s29], $0x80, v7, vm1, $0xb8;
	[tilespmem:$0x14000] =	vst v63  }
0x104: {  	s9 =	simm.s32 @!p0 $0x4800  }
0x105: {  	[tilespmem:s9], [sflag:$0x1] =	stream.indirect_vreg.gather @!p0 [hbm4b:s1+s29], $0x80, v3, vm1, $0xb8;
	[tilespmem:$0x14000] =	vst v63  }
0x106: {  	v3 =	vld @!p0 [tilespmem:s2+$0x410];
	_ =	sdelay $0x4  }
0x107: {  	v7 =	vshll.u32 @!p0 v3, $0x1  }
0x108: {  	v3 =	vand.u32 @!p0 $0x7, v3;
	v7 =	vand.u32 @!p0 $0xFFFFFFF0, v7  }
0x109: {  	v3 =	vor.u32 @!p0 v3, v7  }
0x10a: {  	v7 =	vperm.xlane @!p0 v3, v4;
	_ =	sdelay $0x1  }
0x10b: {  	v3 =	vperm.xlane @!p0 v3, v5;
	v7 =	vadd.s32 @!p0 v6, v7;
	_ =	sdelay $0x1  }
0x10c: {  	v3 =	vadd.s32 @!p0 v6, v3;
	_ =	sdelay $0x1  }
0x10d: {  	s9 =	simm.s32 @!p0 $0x5000  }
0x10e: {  	[tilespmem:s9], [sflag:$0x1] =	stream.indirect_vreg.gather @!p0 [hbm4b:s1+s29], $0x80, v7, vm1, $0xb8;
	[tilespmem:$0x14000] =	vst v63  }
0x10f: {  	s9 =	simm.s32 @!p0 $0x5800  }
0x110: {  	[tilespmem:s9], [sflag:$0x1] =	stream.indirect_vreg.gather @!p0 [hbm4b:s1+s29], $0x80, v3, vm1, $0xb8;
	[tilespmem:$0x14000] =	vst v63  }
0x111: {  	_ =	swait.ge [sflag:s22], $0x2000  }
0x112: {  	[sflag:s22] =	ssyncset.done $0x0  }
0x113: {  	s13 =	sadd.s32 $0x1400, s0;
	[sflag:s22] =	ssyncadd.s32 $0xFFFFE000  }
0x114: {  	[hbm4b:s13+s3] =	stream.linear.scatter [tilespmem:s31], [sflag:$0xE], $0x2000, $0x38;
	[tilespmem:$0x14000] =	vst v63  }
0x115: {  	_ =	swait.ge [sflag:s8], $0x2000  }
0x116: {  	[sflag:s8] =	ssyncset.done $0x0  }
0x117: {  	[sflag:s8] =	ssyncadd.s32 $0xFFFFE000  }
0x118: {  	v3 =	vld @!p0 [tilespmem:s2+$0x480];
	_ =	sdelay $0x4  }
0x119: {  	v7 =	vshll.u32 @!p0 v3, $0x1  }
0x11a: {  	v3 =	vand.u32 @!p0 $0x7, v3;
	v7 =	vand.u32 @!p0 $0xFFFFFFF0, v7  }
0x11b: {  	v3 =	vor.u32 @!p0 v3, v7  }
0x11c: {  	v7 =	vperm.xlane @!p0 v3, v4;
	_ =	sdelay $0x1  }
0x11d: {  	v3 =	vperm.xlane @!p0 v3, v5;
	v7 =	vadd.s32 @!p0 v6, v7;
	_ =	sdelay $0x1  }
0x11e: {  	v3 =	vadd.s32 @!p0 v6, v3;
	_ =	sdelay $0x1  }
0x11f: {  	s9 =	simm.s32 @!p0 $0x6000  }
0x120: {  	[tilespmem:s9], [sflag:$0x2] =	stream.indirect_vreg.gather @!p0 [hbm4b:s1+s29], $0x80, v7, vm1, $0xb8;
	[tilespmem:$0x14000] =	vst v63  }
0x121: {  	s9 =	simm.s32 @!p0 $0x6800  }
0x122: {  	[tilespmem:s9], [sflag:$0x2] =	stream.indirect_vreg.gather @!p0 [hbm4b:s1+s29], $0x80, v3, vm1, $0xb8;
	[tilespmem:$0x14000] =	vst v63  }
0x123: {  	v3 =	vld @!p0 [tilespmem:s2+$0x490];
	_ =	sdelay $0x4  }
0x124: {  	v7 =	vshll.u32 @!p0 v3, $0x1  }
0x125: {  	v3 =	vand.u32 @!p0 $0x7, v3;
	v7 =	vand.u32 @!p0 $0xFFFFFFF0, v7  }
0x126: {  	v3 =	vor.u32 @!p0 v3, v7  }
0x127: {  	v7 =	vperm.xlane @!p0 v3, v4;
	_ =	sdelay $0x1  }
0x128: {  	v3 =	vperm.xlane @!p0 v3, v5;
	v7 =	vadd.s32 @!p0 v6, v7;
	_ =	sdelay $0x1  }
0x129: {  	v3 =	vadd.s32 @!p0 v6, v3;
	_ =	sdelay $0x1  }
0x12a: {  	s9 =	simm.s32 @!p0 $0x7000  }
0x12b: {  	[tilespmem:s9], [sflag:$0x2] =	stream.indirect_vreg.gather @!p0 [hbm4b:s1+s29], $0x80, v7, vm1, $0xb8;
	[tilespmem:$0x14000] =	vst v63  }
0x12c: {  	s9 =	simm.s32 @!p0 $0x7800  }
0x12d: {  	[tilespmem:s9], [sflag:$0x2] =	stream.indirect_vreg.gather @!p0 [hbm4b:s1+s29], $0x80, v3, vm1, $0xb8;
	[tilespmem:$0x14000] =	vst v63  }
0x12e: {  	_ =	swait.ge [sflag:s23], $0x2000  }
0x12f: {  	[sflag:s23] =	ssyncset.done $0x0  }
0x130: {  	s13 =	sadd.s32 $0x1800, s0;
	[sflag:s23] =	ssyncadd.s32 $0xFFFFE000  }
0x131: {  	[hbm4b:s13+s3] =	stream.linear.scatter [tilespmem:s11], [sflag:$0xF], $0x2000, $0x38;
	[tilespmem:$0x14000] =	vst v63  }
0x132: {  	_ =	swait.ge [sflag:s12], $0x2000  }
0x133: {  	[sflag:s12] =	ssyncset.done $0x0  }
0x134: {  	[sflag:s12] =	ssyncadd.s32 $0xFFFFE000  }
0x135: {  	v3 =	vld @!p0 [tilespmem:s2+$0x500];
	_ =	sdelay $0x4  }
0x136: {  	v7 =	vshll.u32 @!p0 v3, $0x1  }
0x137: {  	v3 =	vand.u32 @!p0 $0x7, v3;
	v7 =	vand.u32 @!p0 $0xFFFFFFF0, v7  }
0x138: {  	v3 =	vor.u32 @!p0 v3, v7  }
0x139: {  	v7 =	vperm.xlane @!p0 v3, v4;
	_ =	sdelay $0x1  }
0x13a: {  	v3 =	vperm.xlane @!p0 v3, v5;
	v7 =	vadd.s32 @!p0 v6, v7;
	_ =	sdelay $0x1  }
0x13b: {  	v3 =	vadd.s32 @!p0 v6, v3;
	_ =	sdelay $0x1  }
0x13c: {  	s9 =	simm.s32 @!p0 $0x8000  }
0x13d: {  	[tilespmem:s9], [sflag:$0x3] =	stream.indirect_vreg.gather @!p0 [hbm4b:s1+s29], $0x80, v7, vm1, $0xb8;
	[tilespmem:$0x14000] =	vst v63  }
0x13e: {  	s9 =	simm.s32 @!p0 $0x8800  }
0x13f: {  	[tilespmem:s9], [sflag:$0x3] =	stream.indirect_vreg.gather @!p0 [hbm4b:s1+s29], $0x80, v3, vm1, $0xb8;
	[tilespmem:$0x14000] =	vst v63  }
0x140: {  	v3 =	vld @!p0 [tilespmem:s2+$0x510];
	_ =	sdelay $0x4  }
0x141: {  	v7 =	vshll.u32 @!p0 v3, $0x1  }
0x142: {  	v3 =	vand.u32 @!p0 $0x7, v3;
	v7 =	vand.u32 @!p0 $0xFFFFFFF0, v7  }
0x143: {  	v3 =	vor.u32 @!p0 v3, v7  }
0x144: {  	v4 =	vperm.xlane @!p0 v3, v4;
	_ =	sdelay $0x1  }
0x145: {  	v3 =	vperm.xlane @!p0 v3, v5;
	v4 =	vadd.s32 @!p0 v6, v4;
	_ =	sdelay $0x1  }
0x146: {  	v3 =	vadd.s32 @!p0 v6, v3;
	_ =	sdelay $0x1  }
0x147: {  	s9 =	simm.s32 @!p0 $0x9000  }
0x148: {  	[tilespmem:s9], [sflag:$0x3] =	stream.indirect_vreg.gather @!p0 [hbm4b:s1+s29], $0x80, v4, vm1, $0xb8;
	[tilespmem:$0x14000] =	vst v63  }
0x149: {  	s9 =	simm.s32 @!p0 $0x9800  }
0x14a: {  	[tilespmem:s9], [sflag:$0x3] =	stream.indirect_vreg.gather @!p0 [hbm4b:s1+s29], $0x80, v3, vm1, $0xb8;
	[tilespmem:$0x14000] =	vst v63  }
0x14b: {  	_ =	swait.ge [sflag:s26], $0x2000  }
0x14c: {  	[sflag:s26] =	ssyncset.done $0x0  }
.Ltmp2:
0x14d: {  	s0 =	sadd.s32 $0x1C00, s0;
	[sflag:s26] =	ssyncadd.s32 $0xFFFFE000;
	(pc) =	sbr.rel @p0 .LBB2_4-.Ltmp2, $4  }
0x14e: {  	[hbm4b:s0+s3] =	stream.linear.scatter [tilespmem:s18], [sflag:$0x10], $0x2000, $0x38;
	[tilespmem:$0x14000] =	vst v63  }
0x14f: {  	_ =	swait.ge [sflag:s28], $0x2000  }
0x150: {  	[sflag:s28] =	ssyncset.done $0x0  }
0x151: {  	[sflag:s28] =	ssyncadd.s32 $0xFFFFE000  }
0x152: {  	v3 =	vld [tilespmem:s2+$0x580];
	_ =	sdelay $0x4  }
0x153: {  	v4 =	vshll.u32 v3, $0x1  }
0x154: {  	v3 =	vand.u32 $0x7, v3;
	v4 =	vand.u32 $0xFFFFFFF0, v4  }
0x155: {  	v3 =	vor.u32 v3, v4  }
0x156: {  	v4 =	vperm.xlane v3, v0;
	_ =	sdelay $0x1  }
0x157: {  	v3 =	vperm.xlane v3, v2;
	v4 =	vadd.s32 v1, v4;
	_ =	sdelay $0x1  }
0x158: {  	v3 =	vadd.s32 v1, v3;
	_ =	sdelay $0x2  }
0x159: {  	[tilespmem:s20], [sflag:$0x4] =	stream.indirect_vreg.gather [hbm4b:s1+s3], $0x80, v4, vm0, $0xb8;
	[tilespmem:$0x14000] =	vst v63  }
0x15a: {  	s0 =	simm.s32 $0xA800  }
0x15b: {  	[tilespmem:s0], [sflag:$0x4] =	stream.indirect_vreg.gather [hbm4b:s1+s3], $0x80, v3, vm0, $0xb8;
	[tilespmem:$0x14000] =	vst v63  }
0x15c: {  	v3 =	vld [tilespmem:s2+$0x590];
	_ =	sdelay $0x4  }
0x15d: {  	v63 =	vshll.u32 v3, $0x1  }
0x15e: {  	v3 =	vand.u32 $0x7, v3;
	v4 =	vand.u32 $0xFFFFFFF0, v63  }
0x15f: {  	v3 =	vor.u32 v3, v4  }
0x160: {  	v4 =	vperm.xlane v3, v0;
	_ =	sdelay $0x1  }
0x161: {  	v3 =	vperm.xlane v3, v2;
	v4 =	vadd.s32 v1, v4;
	_ =	sdelay $0x1  }
0x162: {  	v3 =	vadd.s32 v1, v3  }
.Ltmp3:
0x163: {  	_ = 	snop;
	(pc) =	sbr.rel .LBB2_2-.Ltmp3, $4  }
0x164: {  	s13 =	simm.s32 $0xB000  }
0x165: {  	[tilespmem:s13], [sflag:$0x4] =	stream.indirect_vreg.gather [hbm4b:s1+s3], $0x80, v4, vm0, $0xb8;
	[tilespmem:$0x14000] =	vst v63  }
0x166: {  	s29 =	simm.s32 $0xB800;
	s16 =	sadd.s32 $0x2000, s16;
	s2 =	sadd.s32 $0x400, s2  }
0x167: {  	[tilespmem:s29], [sflag:$0x4] =	stream.indirect_vreg.gather [hbm4b:s1+s3], $0x80, v3, vm0, $0xb8;
	[tilespmem:$0x14000] =	vst v63  }
.LBB2_5:
0x168: {  	_ =	sfence.sel $0x180000  }
0x169: {  	[bflag:$0x0] =	sbarrier.arrive $0xFFFF  }
0x16a: {  	_ =	strace $0x90000047  }
0x16b: {  	s0 =	stileid.u32;
	[bflag:$0x2] =	sbarrier.arrive $0xFFFF  }
0x16c: {  	p0 =	sne.s32 s0, $0x0;
	s0 =	rddreg [dreg:$0x3]  }
0x16d: {  	s0 =	sadd.s32 @!p0 $0x100000, s0  }
0x16e: {  	[sflag:s0] =	ssyncadd.tile.s32 @!p0 $0x1;
	_ =	shalt  }
.Lfunc_end2:
_tile_overlayer_lowered:
.L_overlay_start_2:
0x16f: {  	(tag) =	ssettag $0x2  }
0x170: {  	s0 =	rddreg [dreg:$0x0];
	s2 =	stileid.u32  }
0x171: {  	s1 =	rddreg [dreg:$0x1];
	p0 =	sne.s32 s2, $0x0  }
0x172: {  	s3 =	rddreg [dreg:$0x2];
	[bflag:$0x3] =	sbarrier.arrive $0xFFFF;
	s2 =	simm.s32 @!p0 $0x1C11  }
0x173: {  	[timem:s3], [sflag:s2] =	dma.local @!p0 [hbm:s0], s1  }
0x174: {  	s0 =	simm.s32 @!p0 $0x11  }
0x175: {  	_ =	swait.ge @!p0 [sflag:s0], s1  }
0x176: {  	s1 =	ssub.s32 @!p0 $0x0, s1;
	[sflag:s0] =	ssyncset.done @!p0 $0x0  }
0x177: {  	[sflag:s0] =	ssyncadd.s32 @!p0 s1  }
0x178: {  	[bflag:$0x3] =	sbarrier.arrive $0xFFFF  }
0x179: {  	_ =	shalt  }

</sc_bundles>
